<compile_context>
chip_gen: v7x
topology: tpu7x:2x2x1
jax: 0.10.2.dev20260603
libtpu: 0.0.44.dev20260713+nightly
codegen_flags: <defaults>
</compile_context>

<pallas_src>
import math

import jax
import jax.numpy as jnp
import numpy as np
from jax import lax
from jax.experimental import pallas as pl
from jax.experimental.pallas import tpu as pltpu
from jax.experimental.pallas import tpu_sc as plsc

N = 10000
E = 320000
D_IN = 128
TD = 32
HID = 256
OUT = 256
HEADS = 8
HD = OUT // HEADS

NPAD = 10240
N_TILES = 16
ROWS_PT = NPAD // N_TILES
EPT = 20480
EPAD = EPT * N_TILES
EBLK = EPAD // 128
SPMM_OUTER = EPT // 512

BN = 400
GRID = N // BN


def _sc_spmm(hs, rowcat, colb, zeros, p_out, idxr, idxc, gbuf,
             sa, sb, t0, t1, sir, sic, acc):
    c = lax.axis_index("c")
    s = lax.axis_index("s")
    pltpu.sync_copy(zeros.at[pl.ds(s * ROWS_PT, ROWS_PT)],
                    acc.at[pl.ds(s * ROWS_PT, ROWS_PT)])
    plsc.subcore_barrier()
    rbase = c * EBLK + s * (EPT // 128)
    cbase = s * (EPT // 128)

    @pl.loop(0, SPMM_OUTER)
    def _blk(t):
        dr = pltpu.async_copy(rowcat.at[pl.ds(rbase + t * 4, 4)], idxr, sir)
        dc = pltpu.async_copy(colb.at[pl.ds(cbase + t * 4, 4)], idxc, sic)
        dr.wait()
        g0 = pltpu.async_copy(hs.at[idxr.at[0]], gbuf.at[0], sa)
        g1 = pltpu.async_copy(hs.at[idxr.at[1]], gbuf.at[1], sb)
        dc.wait()
        g0.wait()
        pltpu.sync_copy(gbuf.at[0], acc.at[idxc.at[0]], add=True)
        g2 = pltpu.async_copy(hs.at[idxr.at[2]], gbuf.at[0], sa)
        g1.wait()
        pltpu.sync_copy(gbuf.at[1], acc.at[idxc.at[1]], add=True)
        g3 = pltpu.async_copy(hs.at[idxr.at[3]], gbuf.at[1], sb)
        g2.wait()
        pltpu.sync_copy(gbuf.at[0], acc.at[idxc.at[2]], add=True)
        g3.wait()
        pltpu.sync_copy(gbuf.at[1], acc.at[idxc.at[3]], add=True)

    plsc.subcore_barrier()
    pltpu.sync_copy(acc.at[pl.ds(s * ROWS_PT, ROWS_PT)],
                    p_out.at[pl.ds(c * NPAD + s * ROWS_PT, ROWS_PT)])


def _te_of(nt_ref, table_ref):
    idx = (nt_ref[...] / 1000.0 * TD).astype(jnp.int32) % TD
    oh = (idx == lax.broadcasted_iota(jnp.int32, (1, TD), 1)).astype(jnp.float32)
    return jnp.dot(oh, table_ref[...], preferred_element_type=jnp.float32)


def _stage_u(p_ref, s_ref, dinv_ref, x_ref, nt_ref, table_ref, flag_ref,
             wm_ref, wx_ref, wte_ref, b_ref, hs_ref, sn_ref, dinv_out_ref):
    first = flag_ref[:, 0:1] > 0.5
    dinv = jnp.where(first, lax.rsqrt(p_ref[0, :, 0:1] + 1.0), dinv_ref[...])
    pcat = jnp.concatenate([p_ref[0], p_ref[1]], axis=1)
    h = jnp.maximum(dinv * pcat + s_ref[...], 0.0)
    te = _te_of(nt_ref, table_ref)
    m = (jnp.dot(h, wm_ref[...], preferred_element_type=jnp.float32)
         + jnp.dot(x_ref[...], wx_ref[...], preferred_element_type=jnp.float32)
         + jnp.dot(te, wte_ref[...], preferred_element_type=jnp.float32))
    hsm = dinv * m
    hs_ref[0] = hsm[:, :128]
    hs_ref[1] = hsm[:, 128:]
    sn_ref[...] = dinv * dinv * m + b_ref[...]
    dinv_out_ref[...] = dinv


def _stage_d(p_ref, s_ref, dinv_ref, nt_ref, table_ref, wq_ref, bq_ref,
             wk_ref, bk_ref, wv_ref, bv_ref, wo_ref, bo_ref, out_ref):
    dinv = dinv_ref[...]
    xo = dinv * jnp.concatenate([p_ref[0], p_ref[1]], axis=1) + s_ref[...]
    te = _te_of(nt_ref, table_ref)

    def qkv(w_ref, b_ref):
        return (jnp.dot(xo, w_ref[:OUT], preferred_element_type=jnp.float32)
                + jnp.dot(te, w_ref[OUT:], preferred_element_type=jnp.float32)
                + b_ref[...])

    q = qkv(wq_ref, bq_ref)
    k = qkv(wk_ref, bk_ref)
    v = qkv(wv_ref, bv_ref)
    sel = (lax.broadcasted_iota(jnp.int32, (OUT, HEADS), 0) // HD
           == lax.broadcasted_iota(jnp.int32, (OUT, HEADS), 1)).astype(jnp.float32)
    inv_sq = 1.0 / math.sqrt(HD)
    att_parts = []
    for h in range(HEADS):
        qh = q[:, h * HD:(h + 1) * HD]
        qt = jnp.concatenate([qh] * HEADS, axis=1)
        sc = jnp.dot(k * qt, sel, preferred_element_type=jnp.float32) * inv_sq
        mx = jnp.max(sc, axis=1, keepdims=True)
        ex = jnp.exp(sc - mx)
        a = ex / jnp.sum(ex, axis=1, keepdims=True)
        acc = a[:, 0:1] * v[:, 0:HD]
        for g in range(1, HEADS):
            acc = acc + a[:, g:g + 1] * v[:, g * HD:(g + 1) * HD]
        att_parts.append(acc)
    att = jnp.concatenate(att_parts, axis=1)
    o = jnp.dot(att, wo_ref[...], preferred_element_type=jnp.float32) \
        + bo_ref[...] + xo
    mx = jnp.max(o, axis=1, keepdims=True)
    lg = o - mx
    lse = jnp.log(jnp.sum(jnp.exp(lg), axis=1, keepdims=True))
    out_ref[...] = lg - lse


def _np_table():
    pos = np.arange(TD, dtype=np.float32)[:, None]
    div = np.exp(np.arange(0, TD, 2, dtype=np.float32) * (-math.log(10000.0) / TD))
    ang = pos / div
    t = np.zeros((TD, TD), np.float32)
    t[:, 0::2] = np.sin(ang)
    t[:, 1::2] = np.cos(ang)
    return t


_SC_MESH = dict(core_axis_name="c", subcore_axis_name="s")


def _spmm_call(hs_flat, rowcat, colb, zeros_big):
    f32 = jnp.float32
    p_flat = pl.kernel(
        _sc_spmm,
        out_type=jax.ShapeDtypeStruct((2 * NPAD, 128), f32),
        mesh=plsc.VectorSubcoreMesh(**_SC_MESH),
        scratch_types=[
            pltpu.VMEM((4, 128), jnp.int32),
            pltpu.VMEM((4, 128), jnp.int32),
            pltpu.VMEM((2, 128, 128), f32),
            pltpu.SemaphoreType.DMA,
            pltpu.SemaphoreType.DMA,
            pltpu.SemaphoreType.DMA,
            pltpu.SemaphoreType.DMA,
            pltpu.SemaphoreType.DMA,
            pltpu.SemaphoreType.DMA,
            pltpu.VMEM_SHARED((NPAD, 128), f32),
        ],
    )(hs_flat, rowcat, colb, zeros_big)
    return p_flat.reshape(2, NPAD, 128)


def _block(shape, imap):
    return pl.BlockSpec(shape, imap)


def _u_call():
    f32 = jnp.float32
    return pl.pallas_call(
        _stage_u,
        grid=(GRID,),
        in_specs=[
            _block((2, BN, 128), lambda i: (0, i, 0)),
            _block((BN, HID), lambda i: (i, 0)),
            _block((BN, 1), lambda i: (i, 0)),
            _block((BN, D_IN), lambda i: (i, 0)),
            _block((BN, 1), lambda i: (i, 0)),
            _block((TD, TD), lambda i: (0, 0)),
            _block((1, 128), lambda i: (0, 0)),
            _block((HID, HID), lambda i: (0, 0)),
            _block((D_IN, HID), lambda i: (0, 0)),
            _block((TD, HID), lambda i: (0, 0)),
            _block((1, HID), lambda i: (0, 0)),
        ],
        out_specs=[
            _block((2, BN, 128), lambda i: (0, i, 0)),
            _block((BN, HID), lambda i: (i, 0)),
            _block((BN, 1), lambda i: (i, 0)),
        ],
        out_shape=[
            jax.ShapeDtypeStruct((2, N, 128), f32),
            jax.ShapeDtypeStruct((N, HID), f32),
            jax.ShapeDtypeStruct((N, 1), f32),
        ],
    )


def kernel(x, edge_index, node_time, W0, b0, W1, b1, W2, b2,
           Wq, bq, Wk, bk, Wv, bv, Wo, bo):
    f32 = jnp.float32
    pad = EPAD - E
    rowp = jnp.concatenate([edge_index[0], jnp.zeros((pad,), jnp.int32)])
    rowcat = jnp.concatenate([rowp, rowp + N]).reshape(2 * EBLK, 128)
    colb = jnp.concatenate(
        [edge_index[1], jnp.full((pad,), N, jnp.int32)]).reshape(EBLK, 128)
    nt = node_time.reshape(N, 1)
    table = jnp.asarray(_np_table())
    zeros_big = jnp.zeros((NPAD, 128), f32)

    z_m = jnp.zeros((HID, HID), f32)
    z_x = jnp.zeros((D_IN, HID), f32)
    z_te = jnp.zeros((TD, HID), f32)
    wm4 = jnp.stack([z_m, W1, W2, z_m])
    wx4 = jnp.stack([W0[:D_IN], z_x, z_x, z_x])
    wte4 = jnp.stack([W0[D_IN:], z_te, z_te, z_te])
    b4 = jnp.stack([b0.reshape(1, HID), b1.reshape(1, HID),
                    b2.reshape(1, HID), b0.reshape(1, HID)])
    fl4 = jnp.zeros((4, 1, 128), f32).at[0].set(1.0)

    u_call = _u_call()

    def _layer(carry, xs):
        hs_c, s_c, dinv_c, _, _ = carry
        wm, wx, wte, b_l, fl = xs
        p_l = _spmm_call(hs_c.reshape(2 * N, 128), rowcat, colb, zeros_big)
        hs_n, s_n, dinv_n = u_call(p_l, s_c, dinv_c, x, nt, table, fl,
                                   wm, wx, wte, b_l)
        return (hs_n, s_n, dinv_n, p_l, s_c), None

    init = (jnp.ones((2, N, 128), f32), jnp.zeros((N, HID), f32),
            jnp.zeros((N, 1), f32), jnp.zeros((2, NPAD, 128), f32),
            jnp.zeros((N, HID), f32))
    (_, _, dinv_f, p2, s2), _ = lax.scan(
        _layer, init, (wm4, wx4, wte4, b4, fl4))

    out = pl.pallas_call(
        _stage_d,
        grid=(GRID,),
        in_specs=[
            _block((2, BN, 128), lambda i: (0, i, 0)),
            _block((BN, HID), lambda i: (i, 0)),
            _block((BN, 1), lambda i: (i, 0)),
            _block((BN, 1), lambda i: (i, 0)),
            _block((TD, TD), lambda i: (0, 0)),
            _block((OUT + TD, OUT), lambda i: (0, 0)),
            _block((1, OUT), lambda i: (0, 0)),
            _block((OUT + TD, OUT), lambda i: (0, 0)),
            _block((1, OUT), lambda i: (0, 0)),
            _block((OUT + TD, OUT), lambda i: (0, 0)),
            _block((1, OUT), lambda i: (0, 0)),
            _block((OUT, OUT), lambda i: (0, 0)),
            _block((1, OUT), lambda i: (0, 0)),
        ],
        out_specs=pl.BlockSpec((BN, OUT), lambda i: (i, 0)),
        out_shape=jax.ShapeDtypeStruct((N, OUT), f32),
    )(p2, s2, dinv_f, nt, table, Wq, bq.reshape(1, OUT),
      Wk, bk.reshape(1, OUT), Wv, bv.reshape(1, OUT),
      Wo, bo.reshape(1, OUT))
    return out

# --- scband reference (transcript-rebuilt; emitter-appended) ---
"""Pipeline reference for scband-temporal-gcn-19267223290273 (READ-ONLY COPY).

The authoritative reference and input builder live on the scoring server;
editing this copy changes nothing except your own understanding.
"""

import math
import jax
import jax.numpy as jnp
import numpy as np

N = 10000
E = 320000
D_IN = 128
TD = 32
HID = 256
OUT = 256
HEADS = 8


def setup_inputs(seed: int = 0) -> dict:
    key = jax.random.key(seed)
    ks = jax.random.split(key, 16)

    def w(k, shape):
        return jax.random.normal(k, shape, jnp.float32) * (1.0 / np.sqrt(shape[0]))

    inp = {}
    inp['x'] = jax.random.normal(ks[0], (N, D_IN), jnp.float32)
    inp['edge_index'] = jax.random.randint(ks[1], (2, E), 0, N, dtype=jnp.int32)
    inp['node_time'] = jax.random.uniform(ks[2], (N,), jnp.float32)
    inp['W0'] = w(ks[3], (D_IN + TD, HID)); inp['b0'] = jnp.zeros((HID,), jnp.float32)
    inp['W1'] = w(ks[4], (HID, HID)); inp['b1'] = jnp.zeros((HID,), jnp.float32)
    inp['W2'] = w(ks[5], (HID, OUT)); inp['b2'] = jnp.zeros((OUT,), jnp.float32)
    inp['Wq'] = w(ks[6], (OUT + TD, OUT)); inp['bq'] = jnp.zeros((OUT,), jnp.float32)
    inp['Wk'] = w(ks[7], (OUT + TD, OUT)); inp['bk'] = jnp.zeros((OUT,), jnp.float32)
    inp['Wv'] = w(ks[8], (OUT + TD, OUT)); inp['bv'] = jnp.zeros((OUT,), jnp.float32)
    inp['Wo'] = w(ks[9], (OUT, OUT)); inp['bo'] = jnp.zeros((OUT,), jnp.float32)
    return inp


def _temporal_table():
    pos = jnp.arange(TD, dtype=jnp.float32)[:, None]
    div = jnp.exp(jnp.arange(0, TD, 2, dtype=jnp.float32) * (-math.log(10000.0) / TD))
    ang = pos / div  # [TD, TD//2]
    t = jnp.zeros((TD, TD), jnp.float32)
    t = t.at[:, 0::2].set(jnp.sin(ang))
    t = t.at[:, 1::2].set(jnp.cos(ang))
    return t


def _gcn(h, row, col, W, b, n):
    h = h @ W
    deg = jnp.zeros((n,), h.dtype).at[col].add(1.0)
    dinv = jnp.where(deg > 0, 1.0 / jnp.sqrt(deg), 0.0)
    norm = dinv[row] * dinv[col]
    msg = h[row] * norm[:, None]
    return jax.ops.segment_sum(msg, col, num_segments=n) + b


def reference(x, edge_index, node_time, W0, b0, W1, b1, W2, b2, Wq, bq, Wk, bk, Wv, bv, Wo, bo):
    n = x.shape[0]
    loops = jnp.arange(n, dtype=edge_index.dtype)
    row = jnp.concatenate([edge_index[0], loops])
    col = jnp.concatenate([edge_index[1], loops])
    table = _temporal_table()
    idx = (node_time / 1000.0 * TD).astype(jnp.int32) % TD
    te = table[idx]
    h = jnp.concatenate([x, te], axis=-1)
    h = jax.nn.relu(_gcn(h, row, col, W0, b0, n))
    h = jax.nn.relu(_gcn(h, row, col, W1, b1, n))
    xo = _gcn(h, row, col, W2, b2, n)
    comb = jnp.concatenate([xo, te], axis=-1)
    hd = OUT // HEADS
    Q = (comb @ Wq + bq).reshape(n, HEADS, hd)
    K = (comb @ Wk + bk).reshape(n, HEADS, hd)
    V = (comb @ Wv + bv).reshape(n, HEADS, hd)
    scores = jnp.einsum('nhd,ngd->nhg', Q, K) / math.sqrt(hd)
    attn = jax.nn.softmax(scores, axis=-1)
    att = jnp.einsum('nhg,ngd->nhd', attn, V).reshape(n, OUT)
    out = att @ Wo + bo + xo
    return jax.nn.log_softmax(out, axis=1)

if __name__ == "__main__":
    import jax
    _d = setup_inputs()
    print(jax.jit(kernel)(*tuple(_d.values())))

</pallas_src>

<mosaic_0001>
#map = affine_map<(d0, d1) -> (0, 0)>
module attributes {stable_mosaic.version = 14 : i64} {
  func.func @_sc_spmm(%arg0: i32, %arg1: i32, %arg2: memref<20000x128xf32, #tpu.memory_space<hbm>>, %arg3: memref<5120x128xi32, #tpu.memory_space<hbm>>, %arg4: memref<2560x128xi32, #tpu.memory_space<hbm>>, %arg5: memref<10240x128xf32, #tpu.memory_space<hbm>>, %arg6: memref<20480x128xf32, #tpu.memory_space<hbm>>, %arg7: memref<4x128xi32, #tpu.memory_space<vmem>>, %arg8: memref<4x128xi32, #tpu.memory_space<vmem>>, %arg9: memref<2x128x128xf32, #tpu.memory_space<vmem>>, %arg10: memref<!tpu.dma_semaphore, #tpu.memory_space<semaphore_mem>>, %arg11: memref<!tpu.dma_semaphore, #tpu.memory_space<semaphore_mem>>, %arg12: memref<!tpu.dma_semaphore, #tpu.memory_space<semaphore_mem>>, %arg13: memref<!tpu.dma_semaphore, #tpu.memory_space<semaphore_mem>>, %arg14: memref<!tpu.dma_semaphore, #tpu.memory_space<semaphore_mem>>, %arg15: memref<!tpu.dma_semaphore, #tpu.memory_space<semaphore_mem>>, %arg16: memref<10240x128xf32, #tpu.memory_space<vmem_shared>>) attributes {dimension_semantics = [#tpu.dimension_semantics<core_parallel>, #tpu.dimension_semantics<subcore_parallel>], iteration_bounds = array<i64: 2, 16>, scalar_prefetch = 0 : i64, scratch_operands = 10 : i64, tpu.core_type = #tpu.core_type<sc_vector_subcore>, window_params = [{transform_indices = #map}, {transform_indices = #map}, {transform_indices = #map}, {transform_indices = #map}, {transform_indices = #map}]} {
    %mul3A = arith.constant 640 : i32
    %mul3A_0 = arith.muli %arg1, %mul3A : i32
    %mul3A_1 = arith.constant 640 : i32
    %mul3A_2 = arith.muli %arg1, %mul3A_1 : i32
    "tpu.region"() ({
      %run_scoped3A = tpu.sem_alloc : memref<!tpu.dma_semaphore, #tpu.memory_space<semaphore_mem>>
      %dma_start3A = arith.constant 0 : i32
      %dma_start3A_21 = tpu.memref_slice %arg16[%mul3A_2, %dma_start3A] : memref<10240x128xf32, #tpu.memory_space<vmem_shared>> -> memref<640x128xf32, #tpu.memory_space<vmem_shared>>
      %dma_start3A_22 = arith.constant 0 : i32
      %dma_start3A_23 = tpu.memref_slice %arg5[%mul3A_0, %dma_start3A_22] : memref<10240x128xf32, #tpu.memory_space<hbm>> -> memref<640x128xf32, #tpu.memory_space<hbm>>
      tpu.enqueue_dma source(%dma_start3A_23 : memref<640x128xf32, #tpu.memory_space<hbm>>) target(%dma_start3A_21 : memref<640x128xf32, #tpu.memory_space<vmem_shared>>) target_semaphore(%run_scoped3A : memref<!tpu.dma_semaphore, #tpu.memory_space<semaphore_mem>>)
      %dma_wait3A = arith.constant 0 : i32
      %dma_wait3A_24 = tpu.memref_slice %arg16[%mul3A_2, %dma_wait3A] : memref<10240x128xf32, #tpu.memory_space<vmem_shared>> -> memref<640x128xf32, #tpu.memory_space<vmem_shared>>
      %dma_wait3A_25 = arith.constant 0 : i32
      %dma_wait3A_26 = tpu.memref_slice %arg5[%mul3A_0, %dma_wait3A_25] : memref<10240x128xf32, #tpu.memory_space<hbm>> -> memref<640x128xf32, #tpu.memory_space<hbm>>
      tpu.wait_dma2 semaphore(%run_scoped3A : memref<!tpu.dma_semaphore, #tpu.memory_space<semaphore_mem>>) src(%dma_wait3A_26 : memref<640x128xf32, #tpu.memory_space<hbm>>) dst(%dma_wait3A_24 : memref<640x128xf32, #tpu.memory_space<vmem_shared>>)
      tpu.yield
    }) : () -> ()
    %barrier3A = arith.constant 0 : index
    tpu.barrier barrier_id(%barrier3A)
    %mul3A_3 = arith.constant 2560 : i32
    %mul3A_4 = arith.muli %arg0, %mul3A_3 : i32
    %mul3A_5 = arith.constant 160 : i32
    %mul3A_6 = arith.muli %arg1, %mul3A_5 : i32
    %add3A = arith.addi %mul3A_4, %mul3A_6 : i32
    %mul3A_7 = arith.constant 160 : i32
    %mul3A_8 = arith.muli %arg1, %mul3A_7 : i32
    %scan3A = arith.constant 0 : i32
    %scan3A_9 = arith.constant 40 : i32
    %scan3A_10 = arith.addi %scan3A, %scan3A_9 : i32
    %scan3A_11 = arith.constant 1 : i32
    scf.for %scan3A_21 = %scan3A to %scan3A_10 step %scan3A_11  : i32 {
      %mul3A_22 = arith.constant 1 : i32
      %mul3A_23 = arith.muli %scan3A_21, %mul3A_22 : i32
      %add3A_24 = arith.constant 0 : i32
      %add3A_25 = arith.addi %add3A_24, %mul3A_23 : i32
      %mul3A_26 = arith.constant 4 : i32
      %mul3A_27 = arith.muli %add3A_25, %mul3A_26 : i32
      %add3A_28 = arith.addi %add3A, %mul3A_27 : i32
      %dma_start3A = arith.constant 0 : i32
      %dma_start3A_29 = tpu.memref_slice %arg3[%add3A_28, %dma_start3A] : memref<5120x128xi32, #tpu.memory_space<hbm>> -> memref<4x128xi32, #tpu.memory_space<hbm>>
      %dma_start3A_30 = arith.constant 0 : i32
      %dma_start3A_31 = tpu.memref_slice %arg3[%add3A_28, %dma_start3A_30] : memref<5120x128xi32, #tpu.memory_space<hbm>> -> memref<4x128xi32, #tpu.memory_space<hbm>>
      tpu.enqueue_dma source(%dma_start3A_31 : memref<4x128xi32, #tpu.memory_space<hbm>>) target(%arg7 : memref<4x128xi32, #tpu.memory_space<vmem>>) target_semaphore(%arg14 : memref<!tpu.dma_semaphore, #tpu.memory_space<semaphore_mem>>)
      %mul3A_32 = arith.constant 4 : i32
      %mul3A_33 = arith.muli %add3A_25, %mul3A_32 : i32
      %add3A_34 = arith.addi %mul3A_8, %mul3A_33 : i32
      %dma_start3A_35 = arith.constant 0 : i32
      %dma_start3A_36 = tpu.memref_slice %arg4[%add3A_34, %dma_start3A_35] : memref<2560x128xi32, #tpu.memory_space<hbm>> -> memref<4x128xi32, #tpu.memory_space<hbm>>
      %dma_start3A_37 = arith.constant 0 : i32
      %dma_start3A_38 = tpu.memref_slice %arg4[%add3A_34, %dma_start3A_37] : memref<2560x128xi32, #tpu.memory_space<hbm>> -> memref<4x128xi32, #tpu.memory_space<hbm>>
      tpu.enqueue_dma source(%dma_start3A_38 : memref<4x128xi32, #tpu.memory_space<hbm>>) target(%arg8 : memref<4x128xi32, #tpu.memory_space<vmem>>) target_semaphore(%arg15 : memref<!tpu.dma_semaphore, #tpu.memory_space<semaphore_mem>>)
      %dma_wait3A = arith.constant 0 : i32
      %dma_wait3A_39 = tpu.memref_slice %arg3[%add3A_28, %dma_wait3A] : memref<5120x128xi32, #tpu.memory_space<hbm>> -> memref<4x128xi32, #tpu.memory_space<hbm>>
      %dma_wait3A_40 = arith.constant 0 : i32
      %dma_wait3A_41 = tpu.memref_slice %arg3[%add3A_28, %dma_wait3A_40] : memref<5120x128xi32, #tpu.memory_space<hbm>> -> memref<4x128xi32, #tpu.memory_space<hbm>>
      tpu.wait_dma2 semaphore(%arg14 : memref<!tpu.dma_semaphore, #tpu.memory_space<semaphore_mem>>) src(%dma_wait3A_41 : memref<4x128xi32, #tpu.memory_space<hbm>>) dst(%arg7 : memref<4x128xi32, #tpu.memory_space<vmem>>)
      %dma_start3A_42 = arith.constant 0 : i32
      %dma_start3A_43 = arith.constant 0 : i32
      %dma_start3A_44 = arith.constant 0 : i32
      %dma_start3A_45 = arith.constant 0 : i32
      %dma_start3A_46 = tpu.memref_slice %arg9[%dma_start3A_43, %dma_start3A_44, %dma_start3A_45] : memref<2x128x128xf32, #tpu.memory_space<vmem>> -> memref<1x128x128xf32, #tpu.memory_space<vmem>>
      %dma_start3A_47 = tpu.memref_squeeze %dma_start3A_46 : memref<1x128x128xf32, #tpu.memory_space<vmem>> -> memref<128x128xf32, #tpu.memory_space<vmem>>
      %dma_start3A_48 = arith.constant 0 : i32
      %dma_start3A_49 = tpu.memref_slice %arg7[%dma_start3A_42, %dma_start3A_48] : memref<4x128xi32, #tpu.memory_space<vmem>> -> memref<1x128xi32, #tpu.memory_space<vmem>>
      %dma_start3A_50 = tpu.memref_squeeze %dma_start3A_49 : memref<1x128xi32, #tpu.memory_space<vmem>> -> memref<128xi32, #tpu.memory_space<vmem>>
      %dma_start3A_51 = arith.constant 0 : i32
      %dma_start3A_52 = arith.constant 0 : i32
      %dma_start3A_53 = tpu.memref_slice %arg2[%dma_start3A_51, %dma_start3A_52] : memref<20000x128xf32, #tpu.memory_space<hbm>> -> memref<20000x128xf32, #tpu.memory_space<hbm>>
      tpu.enqueue_indirect_dma source(%dma_start3A_53 : memref<20000x128xf32, #tpu.memory_space<hbm>>) target(%dma_start3A_47 : memref<128x128xf32, #tpu.memory_space<vmem>>) offsets(%dma_start3A_50 : memref<128xi32, #tpu.memory_space<vmem>>) semaphore(%arg10 : memref<!tpu.dma_semaphore, #tpu.memory_space<semaphore_mem>>)
      %dma_start3A_54 = arith.constant 1 : i32
      %dma_start3A_55 = arith.constant 1 : i32
      %dma_start3A_56 = arith.constant 0 : i32
      %dma_start3A_57 = arith.constant 0 : i32
      %dma_start3A_58 = tpu.memref_slice %arg9[%dma_start3A_55, %dma_start3A_56, %dma_start3A_57] : memref<2x128x128xf32, #tpu.memory_space<vmem>> -> memref<1x128x128xf32, #tpu.memory_space<vmem>>
      %dma_start3A_59 = tpu.memref_squeeze %dma_start3A_58 : memref<1x128x128xf32, #tpu.memory_space<vmem>> -> memref<128x128xf32, #tpu.memory_space<vmem>>
      %dma_start3A_60 = arith.constant 0 : i32
      %dma_start3A_61 = tpu.memref_slice %arg7[%dma_start3A_54, %dma_start3A_60] : memref<4x128xi32, #tpu.memory_space<vmem>> -> memref<1x128xi32, #tpu.memory_space<vmem>>
      %dma_start3A_62 = tpu.memref_squeeze %dma_start3A_61 : memref<1x128xi32, #tpu.memory_space<vmem>> -> memref<128xi32, #tpu.memory_space<vmem>>
      %dma_start3A_63 = arith.constant 0 : i32
      %dma_start3A_64 = arith.constant 0 : i32
      %dma_start3A_65 = tpu.memref_slice %arg2[%dma_start3A_63, %dma_start3A_64] : memref<20000x128xf32, #tpu.memory_space<hbm>> -> memref<20000x128xf32, #tpu.memory_space<hbm>>
      tpu.enqueue_indirect_dma source(%dma_start3A_65 : memref<20000x128xf32, #tpu.memory_space<hbm>>) target(%dma_start3A_59 : memref<128x128xf32, #tpu.memory_space<vmem>>) offsets(%dma_start3A_62 : memref<128xi32, #tpu.memory_space<vmem>>) semaphore(%arg11 : memref<!tpu.dma_semaphore, #tpu.memory_space<semaphore_mem>>)
      %dma_wait3A_66 = arith.constant 0 : i32
      %dma_wait3A_67 = tpu.memref_slice %arg4[%add3A_34, %dma_wait3A_66] : memref<2560x128xi32, #tpu.memory_space<hbm>> -> memref<4x128xi32, #tpu.memory_space<hbm>>
      %dma_wait3A_68 = arith.constant 0 : i32
      %dma_wait3A_69 = tpu.memref_slice %arg4[%add3A_34, %dma_wait3A_68] : memref<2560x128xi32, #tpu.memory_space<hbm>> -> memref<4x128xi32, #tpu.memory_space<hbm>>
      tpu.wait_dma2 semaphore(%arg15 : memref<!tpu.dma_semaphore, #tpu.memory_space<semaphore_mem>>) src(%dma_wait3A_69 : memref<4x128xi32, #tpu.memory_space<hbm>>) dst(%arg8 : memref<4x128xi32, #tpu.memory_space<vmem>>)
      %dma_wait3A_70 = arith.constant 0 : i32
      %dma_wait3A_71 = arith.constant 0 : i32
      %dma_wait3A_72 = arith.constant 0 : i32
      %dma_wait3A_73 = arith.constant 0 : i32
      %dma_wait3A_74 = tpu.memref_slice %arg9[%dma_wait3A_71, %dma_wait3A_72, %dma_wait3A_73] : memref<2x128x128xf32, #tpu.memory_space<vmem>> -> memref<1x128x128xf32, #tpu.memory_space<vmem>>
      %dma_wait3A_75 = tpu.memref_squeeze %dma_wait3A_74 : memref<1x128x128xf32, #tpu.memory_space<vmem>> -> memref<128x128xf32, #tpu.memory_space<vmem>>
      %dma_wait3A_76 = arith.constant 0 : i32
      %dma_wait3A_77 = tpu.memref_slice %arg7[%dma_wait3A_70, %dma_wait3A_76] : memref<4x128xi32, #tpu.memory_space<vmem>> -> memref<1x128xi32, #tpu.memory_space<vmem>>
      %dma_wait3A_78 = tpu.memref_squeeze %dma_wait3A_77 : memref<1x128xi32, #tpu.memory_space<vmem>> -> memref<128xi32, #tpu.memory_space<vmem>>
      %dma_wait3A_79 = arith.constant 0 : i32
      %dma_wait3A_80 = arith.constant 0 : i32
      %dma_wait3A_81 = tpu.memref_slice %arg2[%dma_wait3A_79, %dma_wait3A_80] : memref<20000x128xf32, #tpu.memory_space<hbm>> -> memref<20000x128xf32, #tpu.memory_space<hbm>>
      tpu.wait_indirect_dma semaphore(%arg10 : memref<!tpu.dma_semaphore, #tpu.memory_space<semaphore_mem>>) src(%dma_wait3A_81 : memref<20000x128xf32, #tpu.memory_space<hbm>>) dst(%dma_wait3A_75 : memref<128x128xf32, #tpu.memory_space<vmem>>)
      %run_scoped3A = arith.constant 0 : i32
      %run_scoped3A_82 = arith.constant 0 : i32
      "tpu.region"() ({
        %run_scoped3A_149 = tpu.sem_alloc : memref<!tpu.dma_semaphore, #tpu.memory_space<semaphore_mem>>
        %dma_start3A_150 = arith.constant 0 : i32
        %dma_start3A_151 = arith.constant 0 : i32
        %dma_start3A_152 = tpu.memref_slice %arg9[%run_scoped3A, %dma_start3A_150, %dma_start3A_151] : memref<2x128x128xf32, #tpu.memory_space<vmem>> -> memref<1x128x128xf32, #tpu.memory_space<vmem>>
        %dma_start3A_153 = tpu.memref_squeeze %dma_start3A_152 : memref<1x128x128xf32, #tpu.memory_space<vmem>> -> memref<128x128xf32, #tpu.memory_space<vmem>>
        %dma_start3A_154 = arith.constant 0 : i32
        %dma_start3A_155 = tpu.memref_slice %arg8[%run_scoped3A_82, %dma_start3A_154] : memref<4x128xi32, #tpu.memory_space<vmem>> -> memref<1x128xi32, #tpu.memory_space<vmem>>
        %dma_start3A_156 = tpu.memref_squeeze %dma_start3A_155 : memref<1x128xi32, #tpu.memory_space<vmem>> -> memref<128xi32, #tpu.memory_space<vmem>>
        %dma_start3A_157 = arith.constant 0 : i32
        %dma_start3A_158 = arith.constant 0 : i32
        %dma_start3A_159 = tpu.memref_slice %arg16[%dma_start3A_157, %dma_start3A_158] : memref<10240x128xf32, #tpu.memory_space<vmem_shared>> -> memref<10240x128xf32, #tpu.memory_space<vmem_shared>>
        tpu.enqueue_indirect_dma source(%dma_start3A_153 : memref<128x128xf32, #tpu.memory_space<vmem>>) target(%dma_start3A_159 : memref<10240x128xf32, #tpu.memory_space<vmem_shared>>) offsets(%dma_start3A_156 : memref<128xi32, #tpu.memory_space<vmem>>) semaphore(%run_scoped3A_149 : memref<!tpu.dma_semaphore, #tpu.memory_space<semaphore_mem>>) {add = true}
        %dma_wait3A_160 = arith.constant 0 : i32
        %dma_wait3A_161 = arith.constant 0 : i32
        %dma_wait3A_162 = tpu.memref_slice %arg9[%run_scoped3A, %dma_wait3A_160, %dma_wait3A_161] : memref<2x128x128xf32, #tpu.memory_space<vmem>> -> memref<1x128x128xf32, #tpu.memory_space<vmem>>
        %dma_wait3A_163 = tpu.memref_squeeze %dma_wait3A_162 : memref<1x128x128xf32, #tpu.memory_space<vmem>> -> memref<128x128xf32, #tpu.memory_space<vmem>>
        %dma_wait3A_164 = arith.constant 0 : i32
        %dma_wait3A_165 = tpu.memref_slice %arg8[%run_scoped3A_82, %dma_wait3A_164] : memref<4x128xi32, #tpu.memory_space<vmem>> -> memref<1x128xi32, #tpu.memory_space<vmem>>
        %dma_wait3A_166 = tpu.memref_squeeze %dma_wait3A_165 : memref<1x128xi32, #tpu.memory_space<vmem>> -> memref<128xi32, #tpu.memory_space<vmem>>
        %dma_wait3A_167 = arith.constant 0 : i32
        %dma_wait3A_168 = arith.constant 0 : i32
        %dma_wait3A_169 = tpu.memref_slice %arg16[%dma_wait3A_167, %dma_wait3A_168] : memref<10240x128xf32, #tpu.memory_space<vmem_shared>> -> memref<10240x128xf32, #tpu.memory_space<vmem_shared>>
        tpu.wait_indirect_dma semaphore(%run_scoped3A_149 : memref<!tpu.dma_semaphore, #tpu.memory_space<semaphore_mem>>) src(%dma_wait3A_163 : memref<128x128xf32, #tpu.memory_space<vmem>>) dst(%dma_wait3A_169 : memref<10240x128xf32, #tpu.memory_space<vmem_shared>>)
        tpu.yield
      }) : () -> ()
      %dma_start3A_83 = arith.constant 2 : i32
      %dma_start3A_84 = arith.constant 0 : i32
      %dma_start3A_85 = arith.constant 0 : i32
      %dma_start3A_86 = arith.constant 0 : i32
      %dma_start3A_87 = tpu.memref_slice %arg9[%dma_start3A_84, %dma_start3A_85, %dma_start3A_86] : memref<2x128x128xf32, #tpu.memory_space<vmem>> -> memref<1x128x128xf32, #tpu.memory_space<vmem>>
      %dma_start3A_88 = tpu.memref_squeeze %dma_start3A_87 : memref<1x128x128xf32, #tpu.memory_space<vmem>> -> memref<128x128xf32, #tpu.memory_space<vmem>>
      %dma_start3A_89 = arith.constant 0 : i32
      %dma_start3A_90 = tpu.memref_slice %arg7[%dma_start3A_83, %dma_start3A_89] : memref<4x128xi32, #tpu.memory_space<vmem>> -> memref<1x128xi32, #tpu.memory_space<vmem>>
      %dma_start3A_91 = tpu.memref_squeeze %dma_start3A_90 : memref<1x128xi32, #tpu.memory_space<vmem>> -> memref<128xi32, #tpu.memory_space<vmem>>
      %dma_start3A_92 = arith.constant 0 : i32
      %dma_start3A_93 = arith.constant 0 : i32
      %dma_start3A_94 = tpu.memref_slice %arg2[%dma_start3A_92, %dma_start3A_93] : memref<20000x128xf32, #tpu.memory_space<hbm>> -> memref<20000x128xf32, #tpu.memory_space<hbm>>
      tpu.enqueue_indirect_dma source(%dma_start3A_94 : memref<20000x128xf32, #tpu.memory_space<hbm>>) target(%dma_start3A_88 : memref<128x128xf32, #tpu.memory_space<vmem>>) offsets(%dma_start3A_91 : memref<128xi32, #tpu.memory_space<vmem>>) semaphore(%arg10 : memref<!tpu.dma_semaphore, #tpu.memory_space<semaphore_mem>>)
      %dma_wait3A_95 = arith.constant 1 : i32
      %dma_wait3A_96 = arith.constant 1 : i32
      %dma_wait3A_97 = arith.constant 0 : i32
      %dma_wait3A_98 = arith.constant 0 : i32
      %dma_wait3A_99 = tpu.memref_slice %arg9[%dma_wait3A_96, %dma_wait3A_97, %dma_wait3A_98] : memref<2x128x128xf32, #tpu.memory_space<vmem>> -> memref<1x128x128xf32, #tpu.memory_space<vmem>>
      %dma_wait3A_100 = tpu.memref_squeeze %dma_wait3A_99 : memref<1x128x128xf32, #tpu.memory_space<vmem>> -> memref<128x128xf32, #tpu.memory_space<vmem>>
      %dma_wait3A_101 = arith.constant 0 : i32
      %dma_wait3A_102 = tpu.memref_slice %arg7[%dma_wait3A_95, %dma_wait3A_101] : memref<4x128xi32, #tpu.memory_space<vmem>> -> memref<1x128xi32, #tpu.memory_space<vmem>>
      %dma_wait3A_103 = tpu.memref_squeeze %dma_wait3A_102 : memref<1x128xi32, #tpu.memory_space<vmem>> -> memref<128xi32, #tpu.memory_space<vmem>>
      %dma_wait3A_104 = arith.constant 0 : i32
      %dma_wait3A_105 = arith.constant 0 : i32
      %dma_wait3A_106 = tpu.memref_slice %arg2[%dma_wait3A_104, %dma_wait3A_105] : memref<20000x128xf32, #tpu.memory_space<hbm>> -> memref<20000x128xf32, #tpu.memory_space<hbm>>
      tpu.wait_indirect_dma semaphore(%arg11 : memref<!tpu.dma_semaphore, #tpu.memory_space<semaphore_mem>>) src(%dma_wait3A_106 : memref<20000x128xf32, #tpu.memory_space<hbm>>) dst(%dma_wait3A_100 : memref<128x128xf32, #tpu.memory_space<vmem>>)
      %run_scoped3A_107 = arith.constant 1 : i32
      %run_scoped3A_108 = arith.constant 1 : i32
      "tpu.region"() ({
        %run_scoped3A_149 = tpu.sem_alloc : memref<!tpu.dma_semaphore, #tpu.memory_space<semaphore_mem>>
        %dma_start3A_150 = arith.constant 0 : i32
        %dma_start3A_151 = arith.constant 0 : i32
        %dma_start3A_152 = tpu.memref_slice %arg9[%run_scoped3A_107, %dma_start3A_150, %dma_start3A_151] : memref<2x128x128xf32, #tpu.memory_space<vmem>> -> memref<1x128x128xf32, #tpu.memory_space<vmem>>
        %dma_start3A_153 = tpu.memref_squeeze %dma_start3A_152 : memref<1x128x128xf32, #tpu.memory_space<vmem>> -> memref<128x128xf32, #tpu.memory_space<vmem>>
        %dma_start3A_154 = arith.constant 0 : i32
        %dma_start3A_155 = tpu.memref_slice %arg8[%run_scoped3A_108, %dma_start3A_154] : memref<4x128xi32, #tpu.memory_space<vmem>> -> memref<1x128xi32, #tpu.memory_space<vmem>>
        %dma_start3A_156 = tpu.memref_squeeze %dma_start3A_155 : memref<1x128xi32, #tpu.memory_space<vmem>> -> memref<128xi32, #tpu.memory_space<vmem>>
        %dma_start3A_157 = arith.constant 0 : i32
        %dma_start3A_158 = arith.constant 0 : i32
        %dma_start3A_159 = tpu.memref_slice %arg16[%dma_start3A_157, %dma_start3A_158] : memref<10240x128xf32, #tpu.memory_space<vmem_shared>> -> memref<10240x128xf32, #tpu.memory_space<vmem_shared>>
        tpu.enqueue_indirect_dma source(%dma_start3A_153 : memref<128x128xf32, #tpu.memory_space<vmem>>) target(%dma_start3A_159 : memref<10240x128xf32, #tpu.memory_space<vmem_shared>>) offsets(%dma_start3A_156 : memref<128xi32, #tpu.memory_space<vmem>>) semaphore(%run_scoped3A_149 : memref<!tpu.dma_semaphore, #tpu.memory_space<semaphore_mem>>) {add = true}
        %dma_wait3A_160 = arith.constant 0 : i32
        %dma_wait3A_161 = arith.constant 0 : i32
        %dma_wait3A_162 = tpu.memref_slice %arg9[%run_scoped3A_107, %dma_wait3A_160, %dma_wait3A_161] : memref<2x128x128xf32, #tpu.memory_space<vmem>> -> memref<1x128x128xf32, #tpu.memory_space<vmem>>
        %dma_wait3A_163 = tpu.memref_squeeze %dma_wait3A_162 : memref<1x128x128xf32, #tpu.memory_space<vmem>> -> memref<128x128xf32, #tpu.memory_space<vmem>>
        %dma_wait3A_164 = arith.constant 0 : i32
        %dma_wait3A_165 = tpu.memref_slice %arg8[%run_scoped3A_108, %dma_wait3A_164] : memref<4x128xi32, #tpu.memory_space<vmem>> -> memref<1x128xi32, #tpu.memory_space<vmem>>
        %dma_wait3A_166 = tpu.memref_squeeze %dma_wait3A_165 : memref<1x128xi32, #tpu.memory_space<vmem>> -> memref<128xi32, #tpu.memory_space<vmem>>
        %dma_wait3A_167 = arith.constant 0 : i32
        %dma_wait3A_168 = arith.constant 0 : i32
        %dma_wait3A_169 = tpu.memref_slice %arg16[%dma_wait3A_167, %dma_wait3A_168] : memref<10240x128xf32, #tpu.memory_space<vmem_shared>> -> memref<10240x128xf32, #tpu.memory_space<vmem_shared>>
        tpu.wait_indirect_dma semaphore(%run_scoped3A_149 : memref<!tpu.dma_semaphore, #tpu.memory_space<semaphore_mem>>) src(%dma_wait3A_163 : memref<128x128xf32, #tpu.memory_space<vmem>>) dst(%dma_wait3A_169 : memref<10240x128xf32, #tpu.memory_space<vmem_shared>>)
        tpu.yield
      }) : () -> ()
      %dma_start3A_109 = arith.constant 3 : i32
      %dma_start3A_110 = arith.constant 1 : i32
      %dma_start3A_111 = arith.constant 0 : i32
      %dma_start3A_112 = arith.constant 0 : i32
      %dma_start3A_113 = tpu.memref_slice %arg9[%dma_start3A_110, %dma_start3A_111, %dma_start3A_112] : memref<2x128x128xf32, #tpu.memory_space<vmem>> -> memref<1x128x128xf32, #tpu.memory_space<vmem>>
      %dma_start3A_114 = tpu.memref_squeeze %dma_start3A_113 : memref<1x128x128xf32, #tpu.memory_space<vmem>> -> memref<128x128xf32, #tpu.memory_space<vmem>>
      %dma_start3A_115 = arith.constant 0 : i32
      %dma_start3A_116 = tpu.memref_slice %arg7[%dma_start3A_109, %dma_start3A_115] : memref<4x128xi32, #tpu.memory_space<vmem>> -> memref<1x128xi32, #tpu.memory_space<vmem>>
      %dma_start3A_117 = tpu.memref_squeeze %dma_start3A_116 : memref<1x128xi32, #tpu.memory_space<vmem>> -> memref<128xi32, #tpu.memory_space<vmem>>
      %dma_start3A_118 = arith.constant 0 : i32
      %dma_start3A_119 = arith.constant 0 : i32
      %dma_start3A_120 = tpu.memref_slice %arg2[%dma_start3A_118, %dma_start3A_119] : memref<20000x128xf32, #tpu.memory_space<hbm>> -> memref<20000x128xf32, #tpu.memory_space<hbm>>
      tpu.enqueue_indirect_dma source(%dma_start3A_120 : memref<20000x128xf32, #tpu.memory_space<hbm>>) target(%dma_start3A_114 : memref<128x128xf32, #tpu.memory_space<vmem>>) offsets(%dma_start3A_117 : memref<128xi32, #tpu.memory_space<vmem>>) semaphore(%arg11 : memref<!tpu.dma_semaphore, #tpu.memory_space<semaphore_mem>>)
      %dma_wait3A_121 = arith.constant 2 : i32
      %dma_wait3A_122 = arith.constant 0 : i32
      %dma_wait3A_123 = arith.constant 0 : i32
      %dma_wait3A_124 = arith.constant 0 : i32
      %dma_wait3A_125 = tpu.memref_slice %arg9[%dma_wait3A_122, %dma_wait3A_123, %dma_wait3A_124] : memref<2x128x128xf32, #tpu.memory_space<vmem>> -> memref<1x128x128xf32, #tpu.memory_space<vmem>>
      %dma_wait3A_126 = tpu.memref_squeeze %dma_wait3A_125 : memref<1x128x128xf32, #tpu.memory_space<vmem>> -> memref<128x128xf32, #tpu.memory_space<vmem>>
      %dma_wait3A_127 = arith.constant 0 : i32
      %dma_wait3A_128 = tpu.memref_slice %arg7[%dma_wait3A_121, %dma_wait3A_127] : memref<4x128xi32, #tpu.memory_space<vmem>> -> memref<1x128xi32, #tpu.memory_space<vmem>>
      %dma_wait3A_129 = tpu.memref_squeeze %dma_wait3A_128 : memref<1x128xi32, #tpu.memory_space<vmem>> -> memref<128xi32, #tpu.memory_space<vmem>>
      %dma_wait3A_130 = arith.constant 0 : i32
      %dma_wait3A_131 = arith.constant 0 : i32
      %dma_wait3A_132 = tpu.memref_slice %arg2[%dma_wait3A_130, %dma_wait3A_131] : memref<20000x128xf32, #tpu.memory_space<hbm>> -> memref<20000x128xf32, #tpu.memory_space<hbm>>
      tpu.wait_indirect_dma semaphore(%arg10 : memref<!tpu.dma_semaphore, #tpu.memory_space<semaphore_mem>>) src(%dma_wait3A_132 : memref<20000x128xf32, #tpu.memory_space<hbm>>) dst(%dma_wait3A_126 : memref<128x128xf32, #tpu.memory_space<vmem>>)
      %run_scoped3A_133 = arith.constant 0 : i32
      %run_scoped3A_134 = arith.constant 2 : i32
      "tpu.region"() ({
        %run_scoped3A_149 = tpu.sem_alloc : memref<!tpu.dma_semaphore, #tpu.memory_space<semaphore_mem>>
        %dma_start3A_150 = arith.constant 0 : i32
        %dma_start3A_151 = arith.constant 0 : i32
        %dma_start3A_152 = tpu.memref_slice %arg9[%run_scoped3A_133, %dma_start3A_150, %dma_start3A_151] : memref<2x128x128xf32, #tpu.memory_space<vmem>> -> memref<1x128x128xf32, #tpu.memory_space<vmem>>
        %dma_start3A_153 = tpu.memref_squeeze %dma_start3A_152 : memref<1x128x128xf32, #tpu.memory_space<vmem>> -> memref<128x128xf32, #tpu.memory_space<vmem>>
        %dma_start3A_154 = arith.constant 0 : i32
        %dma_start3A_155 = tpu.memref_slice %arg8[%run_scoped3A_134, %dma_start3A_154] : memref<4x128xi32, #tpu.memory_space<vmem>> -> memref<1x128xi32, #tpu.memory_space<vmem>>
        %dma_start3A_156 = tpu.memref_squeeze %dma_start3A_155 : memref<1x128xi32, #tpu.memory_space<vmem>> -> memref<128xi32, #tpu.memory_space<vmem>>
        %dma_start3A_157 = arith.constant 0 : i32
        %dma_start3A_158 = arith.constant 0 : i32
        %dma_start3A_159 = tpu.memref_slice %arg16[%dma_start3A_157, %dma_start3A_158] : memref<10240x128xf32, #tpu.memory_space<vmem_shared>> -> memref<10240x128xf32, #tpu.memory_space<vmem_shared>>
        tpu.enqueue_indirect_dma source(%dma_start3A_153 : memref<128x128xf32, #tpu.memory_space<vmem>>) target(%dma_start3A_159 : memref<10240x128xf32, #tpu.memory_space<vmem_shared>>) offsets(%dma_start3A_156 : memref<128xi32, #tpu.memory_space<vmem>>) semaphore(%run_scoped3A_149 : memref<!tpu.dma_semaphore, #tpu.memory_space<semaphore_mem>>) {add = true}
        %dma_wait3A_160 = arith.constant 0 : i32
        %dma_wait3A_161 = arith.constant 0 : i32
        %dma_wait3A_162 = tpu.memref_slice %arg9[%run_scoped3A_133, %dma_wait3A_160, %dma_wait3A_161] : memref<2x128x128xf32, #tpu.memory_space<vmem>> -> memref<1x128x128xf32, #tpu.memory_space<vmem>>
        %dma_wait3A_163 = tpu.memref_squeeze %dma_wait3A_162 : memref<1x128x128xf32, #tpu.memory_space<vmem>> -> memref<128x128xf32, #tpu.memory_space<vmem>>
        %dma_wait3A_164 = arith.constant 0 : i32
        %dma_wait3A_165 = tpu.memref_slice %arg8[%run_scoped3A_134, %dma_wait3A_164] : memref<4x128xi32, #tpu.memory_space<vmem>> -> memref<1x128xi32, #tpu.memory_space<vmem>>
        %dma_wait3A_166 = tpu.memref_squeeze %dma_wait3A_165 : memref<1x128xi32, #tpu.memory_space<vmem>> -> memref<128xi32, #tpu.memory_space<vmem>>
        %dma_wait3A_167 = arith.constant 0 : i32
        %dma_wait3A_168 = arith.constant 0 : i32
        %dma_wait3A_169 = tpu.memref_slice %arg16[%dma_wait3A_167, %dma_wait3A_168] : memref<10240x128xf32, #tpu.memory_space<vmem_shared>> -> memref<10240x128xf32, #tpu.memory_space<vmem_shared>>
        tpu.wait_indirect_dma semaphore(%run_scoped3A_149 : memref<!tpu.dma_semaphore, #tpu.memory_space<semaphore_mem>>) src(%dma_wait3A_163 : memref<128x128xf32, #tpu.memory_space<vmem>>) dst(%dma_wait3A_169 : memref<10240x128xf32, #tpu.memory_space<vmem_shared>>)
        tpu.yield
      }) : () -> ()
      %dma_wait3A_135 = arith.constant 3 : i32
      %dma_wait3A_136 = arith.constant 1 : i32
      %dma_wait3A_137 = arith.constant 0 : i32
      %dma_wait3A_138 = arith.constant 0 : i32
      %dma_wait3A_139 = tpu.memref_slice %arg9[%dma_wait3A_136, %dma_wait3A_137, %dma_wait3A_138] : memref<2x128x128xf32, #tpu.memory_space<vmem>> -> memref<1x128x128xf32, #tpu.memory_space<vmem>>
      %dma_wait3A_140 = tpu.memref_squeeze %dma_wait3A_139 : memref<1x128x128xf32, #tpu.memory_space<vmem>> -> memref<128x128xf32, #tpu.memory_space<vmem>>
      %dma_wait3A_141 = arith.constant 0 : i32
      %dma_wait3A_142 = tpu.memref_slice %arg7[%dma_wait3A_135, %dma_wait3A_141] : memref<4x128xi32, #tpu.memory_space<vmem>> -> memref<1x128xi32, #tpu.memory_space<vmem>>
      %dma_wait3A_143 = tpu.memref_squeeze %dma_wait3A_142 : memref<1x128xi32, #tpu.memory_space<vmem>> -> memref<128xi32, #tpu.memory_space<vmem>>
      %dma_wait3A_144 = arith.constant 0 : i32
      %dma_wait3A_145 = arith.constant 0 : i32
      %dma_wait3A_146 = tpu.memref_slice %arg2[%dma_wait3A_144, %dma_wait3A_145] : memref<20000x128xf32, #tpu.memory_space<hbm>> -> memref<20000x128xf32, #tpu.memory_space<hbm>>
      tpu.wait_indirect_dma semaphore(%arg11 : memref<!tpu.dma_semaphore, #tpu.memory_space<semaphore_mem>>) src(%dma_wait3A_146 : memref<20000x128xf32, #tpu.memory_space<hbm>>) dst(%dma_wait3A_140 : memref<128x128xf32, #tpu.memory_space<vmem>>)
      %run_scoped3A_147 = arith.constant 1 : i32
      %run_scoped3A_148 = arith.constant 3 : i32
      "tpu.region"() ({
        %run_scoped3A_149 = tpu.sem_alloc : memref<!tpu.dma_semaphore, #tpu.memory_space<semaphore_mem>>
        %dma_start3A_150 = arith.constant 0 : i32
        %dma_start3A_151 = arith.constant 0 : i32
        %dma_start3A_152 = tpu.memref_slice %arg9[%run_scoped3A_147, %dma_start3A_150, %dma_start3A_151] : memref<2x128x128xf32, #tpu.memory_space<vmem>> -> memref<1x128x128xf32, #tpu.memory_space<vmem>>
        %dma_start3A_153 = tpu.memref_squeeze %dma_start3A_152 : memref<1x128x128xf32, #tpu.memory_space<vmem>> -> memref<128x128xf32, #tpu.memory_space<vmem>>
        %dma_start3A_154 = arith.constant 0 : i32
        %dma_start3A_155 = tpu.memref_slice %arg8[%run_scoped3A_148, %dma_start3A_154] : memref<4x128xi32, #tpu.memory_space<vmem>> -> memref<1x128xi32, #tpu.memory_space<vmem>>
        %dma_start3A_156 = tpu.memref_squeeze %dma_start3A_155 : memref<1x128xi32, #tpu.memory_space<vmem>> -> memref<128xi32, #tpu.memory_space<vmem>>
        %dma_start3A_157 = arith.constant 0 : i32
        %dma_start3A_158 = arith.constant 0 : i32
        %dma_start3A_159 = tpu.memref_slice %arg16[%dma_start3A_157, %dma_start3A_158] : memref<10240x128xf32, #tpu.memory_space<vmem_shared>> -> memref<10240x128xf32, #tpu.memory_space<vmem_shared>>
        tpu.enqueue_indirect_dma source(%dma_start3A_153 : memref<128x128xf32, #tpu.memory_space<vmem>>) target(%dma_start3A_159 : memref<10240x128xf32, #tpu.memory_space<vmem_shared>>) offsets(%dma_start3A_156 : memref<128xi32, #tpu.memory_space<vmem>>) semaphore(%run_scoped3A_149 : memref<!tpu.dma_semaphore, #tpu.memory_space<semaphore_mem>>) {add = true}
        %dma_wait3A_160 = arith.constant 0 : i32
        %dma_wait3A_161 = arith.constant 0 : i32
        %dma_wait3A_162 = tpu.memref_slice %arg9[%run_scoped3A_147, %dma_wait3A_160, %dma_wait3A_161] : memref<2x128x128xf32, #tpu.memory_space<vmem>> -> memref<1x128x128xf32, #tpu.memory_space<vmem>>
        %dma_wait3A_163 = tpu.memref_squeeze %dma_wait3A_162 : memref<1x128x128xf32, #tpu.memory_space<vmem>> -> memref<128x128xf32, #tpu.memory_space<vmem>>
        %dma_wait3A_164 = arith.constant 0 : i32
        %dma_wait3A_165 = tpu.memref_slice %arg8[%run_scoped3A_148, %dma_wait3A_164] : memref<4x128xi32, #tpu.memory_space<vmem>> -> memref<1x128xi32, #tpu.memory_space<vmem>>
        %dma_wait3A_166 = tpu.memref_squeeze %dma_wait3A_165 : memref<1x128xi32, #tpu.memory_space<vmem>> -> memref<128xi32, #tpu.memory_space<vmem>>
        %dma_wait3A_167 = arith.constant 0 : i32
        %dma_wait3A_168 = arith.constant 0 : i32
        %dma_wait3A_169 = tpu.memref_slice %arg16[%dma_wait3A_167, %dma_wait3A_168] : memref<10240x128xf32, #tpu.memory_space<vmem_shared>> -> memref<10240x128xf32, #tpu.memory_space<vmem_shared>>
        tpu.wait_indirect_dma semaphore(%run_scoped3A_149 : memref<!tpu.dma_semaphore, #tpu.memory_space<semaphore_mem>>) src(%dma_wait3A_163 : memref<128x128xf32, #tpu.memory_space<vmem>>) dst(%dma_wait3A_169 : memref<10240x128xf32, #tpu.memory_space<vmem_shared>>)
        tpu.yield
      }) : () -> ()
    }
    %scan3A_12 = arith.constant 40 : i32
    %barrier3A_13 = arith.constant 0 : index
    tpu.barrier barrier_id(%barrier3A_13)
    %mul3A_14 = arith.constant 640 : i32
    %mul3A_15 = arith.muli %arg1, %mul3A_14 : i32
    %mul3A_16 = arith.constant 10240 : i32
    %mul3A_17 = arith.muli %arg0, %mul3A_16 : i32
    %mul3A_18 = arith.constant 640 : i32
    %mul3A_19 = arith.muli %arg1, %mul3A_18 : i32
    %add3A_20 = arith.addi %mul3A_17, %mul3A_19 : i32
    "tpu.region"() ({
      %run_scoped3A = tpu.sem_alloc : memref<!tpu.dma_semaphore, #tpu.memory_space<semaphore_mem>>
      %dma_start3A = arith.constant 0 : i32
      %dma_start3A_21 = tpu.memref_slice %arg6[%add3A_20, %dma_start3A] : memref<20480x128xf32, #tpu.memory_space<hbm>> -> memref<640x128xf32, #tpu.memory_space<hbm>>
      %dma_start3A_22 = arith.constant 0 : i32
      %dma_start3A_23 = tpu.memref_slice %arg16[%mul3A_15, %dma_start3A_22] : memref<10240x128xf32, #tpu.memory_space<vmem_shared>> -> memref<640x128xf32, #tpu.memory_space<vmem_shared>>
      tpu.enqueue_dma source(%dma_start3A_23 : memref<640x128xf32, #tpu.memory_space<vmem_shared>>) target(%dma_start3A_21 : memref<640x128xf32, #tpu.memory_space<hbm>>) target_semaphore(%run_scoped3A : memref<!tpu.dma_semaphore, #tpu.memory_space<semaphore_mem>>)
      %dma_wait3A = arith.constant 0 : i32
      %dma_wait3A_24 = tpu.memref_slice %arg6[%add3A_20, %dma_wait3A] : memref<20480x128xf32, #tpu.memory_space<hbm>> -> memref<640x128xf32, #tpu.memory_space<hbm>>
      %dma_wait3A_25 = arith.constant 0 : i32
      %dma_wait3A_26 = tpu.memref_slice %arg16[%mul3A_15, %dma_wait3A_25] : memref<10240x128xf32, #tpu.memory_space<vmem_shared>> -> memref<640x128xf32, #tpu.memory_space<vmem_shared>>
      tpu.wait_dma2 semaphore(%run_scoped3A : memref<!tpu.dma_semaphore, #tpu.memory_space<semaphore_mem>>) src(%dma_wait3A_26 : memref<640x128xf32, #tpu.memory_space<vmem_shared>>) dst(%dma_wait3A_24 : memref<640x128xf32, #tpu.memory_space<hbm>>)
      tpu.yield
    }) : () -> ()
    return
  }
}

module attributes {stable_mosaic.version = 14 : i64} {
  func.func @_stage_u(%arg0: i32, %arg1: memref<2x400x128xf32, #tpu.memory_space<vmem>>, %arg2: memref<400x256xf32, #tpu.memory_space<vmem>>, %arg3: memref<400x1xf32, #tpu.memory_space<vmem>>, %arg4: memref<400x128xf32, #tpu.memory_space<vmem>>, %arg5: memref<400x1xf32, #tpu.memory_space<vmem>>, %arg6: memref<32x32xf32, #tpu.memory_space<vmem>>, %arg7: memref<1x128xf32, #tpu.memory_space<vmem>>, %arg8: memref<256x256xf32, #tpu.memory_space<vmem>>, %arg9: memref<128x256xf32, #tpu.memory_space<vmem>>, %arg10: memref<32x256xf32, #tpu.memory_space<vmem>>, %arg11: memref<1x256xf32, #tpu.memory_space<vmem>>, %arg12: memref<2x400x128xf32, #tpu.memory_space<vmem>>, %arg13: memref<400x256xf32, #tpu.memory_space<vmem>>, %arg14: memref<400x1xf32, #tpu.memory_space<vmem>>) attributes {dimension_semantics = [#tpu.dimension_semantics<arbitrary>], iteration_bounds = array<i64: 25>, scalar_prefetch = 0 : i64, scratch_operands = 0 : i64, tpu.core_type = #tpu.core_type<tc>, window_params = [{transform_indices = @transform_0, window_bounds = array<i64: 2, 400, 128>}, {transform_indices = @transform_1, window_bounds = array<i64: 400, 256>}, {transform_indices = @transform_2, window_bounds = array<i64: 400, 1>}, {transform_indices = @transform_3, window_bounds = array<i64: 400, 128>}, {transform_indices = @transform_4, window_bounds = array<i64: 400, 1>}, {pipeline_mode = #tpu.pipeline_mode<synchronous>, transform_indices = @transform_5, window_bounds = array<i64: 32, 32>}, {pipeline_mode = #tpu.pipeline_mode<synchronous>, transform_indices = @transform_6, window_bounds = array<i64: 1, 128>}, {pipeline_mode = #tpu.pipeline_mode<synchronous>, transform_indices = @transform_7, window_bounds = array<i64: 256, 256>}, {pipeline_mode = #tpu.pipeline_mode<synchronous>, transform_indices = @transform_8, window_bounds = array<i64: 128, 256>}, {pipeline_mode = #tpu.pipeline_mode<synchronous>, transform_indices = @transform_9, window_bounds = array<i64: 32, 256>}, {pipeline_mode = #tpu.pipeline_mode<synchronous>, transform_indices = @transform_10, window_bounds = array<i64: 1, 256>}, {transform_indices = @transform_11, window_bounds = array<i64: 2, 400, 128>}, {transform_indices = @transform_12, window_bounds = array<i64: 400, 256>}, {transform_indices = @transform_13, window_bounds = array<i64: 400, 1>}]} {
    %get3A = arith.constant 0 : index
    %get3A_0 = arith.constant 0 : index
    %get3A_1 = vector.load %arg7[%get3A, %get3A_0] : memref<1x128xf32, #tpu.memory_space<vmem>>, vector<1x1xf32>
    %gt3A = arith.constant 5.000000e-01 : f32
    %gt3A_2 = vector.broadcast %gt3A : f32 to vector<1x1xf32>
    %gt3A_3 = arith.cmpf ogt, %get3A_1, %gt3A_2 : vector<1x1xf32>
    %get3A_4 = arith.constant 0 : index
    %get3A_5 = arith.constant 0 : index
    %get3A_6 = arith.constant 0 : index
    %get3A_7 = vector.load %arg1[%get3A_4, %get3A_5, %get3A_6] : memref<2x400x128xf32, #tpu.memory_space<vmem>>, vector<1x400x1xf32>
    %get3A_8 = vector.shape_cast %get3A_7 : vector<1x400x1xf32> to vector<400x1xf32>
    %add3A = arith.constant 1.000000e+00 : f32
    %add3A_9 = vector.broadcast %add3A : f32 to vector<400x1xf32>
    %add3A_10 = arith.addf %get3A_8, %add3A_9 : vector<400x1xf32>
    %rsqrt3A = math.rsqrt %add3A_10 : vector<400x1xf32>
    %get3A_11 = arith.constant 0 : index
    %get3A_12 = arith.constant 0 : index
    %get3A_13 = vector.load %arg3[%get3A_11, %get3A_12] : memref<400x1xf32, #tpu.memory_space<vmem>>, vector<400x1xf32>
    %broadcast_in_dim3A = vector.shape_cast %gt3A_3 : vector<1x1xi1> to vector<1x1xi1>
    %broadcast_in_dim3A_14 = vector.broadcast %broadcast_in_dim3A : vector<1x1xi1> to vector<400x1xi1>
    %select_n3A = arith.select %broadcast_in_dim3A_14, %rsqrt3A, %get3A_13 : vector<400x1xi1>, vector<400x1xf32>
    %get3A_15 = arith.constant 0 : index
    %get3A_16 = arith.constant 0 : index
    %get3A_17 = arith.constant 0 : index
    %get3A_18 = vector.load %arg1[%get3A_15, %get3A_16, %get3A_17] : memref<2x400x128xf32, #tpu.memory_space<vmem>>, vector<1x400x128xf32>
    %get3A_19 = vector.shape_cast %get3A_18 : vector<1x400x128xf32> to vector<400x128xf32>
    %get3A_20 = arith.constant 1 : index
    %get3A_21 = arith.constant 0 : index
    %get3A_22 = arith.constant 0 : index
    %get3A_23 = vector.load %arg1[%get3A_20, %get3A_21, %get3A_22] : memref<2x400x128xf32, #tpu.memory_space<vmem>>, vector<1x400x128xf32>
    %get3A_24 = vector.shape_cast %get3A_23 : vector<1x400x128xf32> to vector<400x128xf32>
    %concatenate3A = tpu.concatenate %get3A_19, %get3A_24 in 1 : vector<400x128xf32>, vector<400x128xf32> -> vector<400x256xf32>
    %mul3A = vector.broadcast %select_n3A : vector<400x1xf32> to vector<400x256xf32>
    %mul3A_25 = arith.mulf %mul3A, %concatenate3A : vector<400x256xf32>
    %get3A_26 = arith.constant 0 : index
    %get3A_27 = arith.constant 0 : index
    %get3A_28 = vector.load %arg2[%get3A_26, %get3A_27] : memref<400x256xf32, #tpu.memory_space<vmem>>, vector<400x256xf32>
    %add3A_29 = arith.addf %mul3A_25, %get3A_28 : vector<400x256xf32>
    %max3A = arith.constant 0.000000e+00 : f32
    %max3A_30 = vector.broadcast %max3A : f32 to vector<400x256xf32>
    %max3A_31 = arith.maximumf %add3A_29, %max3A_30 : vector<400x256xf32>
    %get3A_32 = arith.constant 0 : index
    %get3A_33 = arith.constant 0 : index
    %get3A_34 = vector.load %arg5[%get3A_32, %get3A_33] : memref<400x1xf32, #tpu.memory_space<vmem>>, vector<400x1xf32>
    %div3A = arith.constant 1.000000e+03 : f32
    %div3A_35 = vector.broadcast %div3A : f32 to vector<400x1xf32>
    %div3A_36 = arith.divf %get3A_34, %div3A_35 : vector<400x1xf32>
    %mul3A_37 = arith.constant 3.200000e+01 : f32
    %mul3A_38 = vector.broadcast %mul3A_37 : f32 to vector<400x1xf32>
    %mul3A_39 = arith.mulf %div3A_36, %mul3A_38 : vector<400x1xf32>
    %convert_element_type3A = arith.fptosi %mul3A_39 : vector<400x1xf32> to vector<400x1xi32>
    %jit3A = arith.constant 32 : i32
    %eq3A = arith.constant 0 : i32
    %eq3A_40 = arith.cmpi eq, %jit3A, %eq3A : i32
    %jit3A_41 = arith.constant 1 : i32
    %select_n3A_42 = arith.select %eq3A_40, %jit3A_41, %jit3A : i32
    %rem3A = vector.broadcast %select_n3A_42 : i32 to vector<400x1xi32>
    %rem3A_43 = arith.remsi %convert_element_type3A, %rem3A : vector<400x1xi32>
    %ne3A = arith.constant 0 : i32
    %ne3A_44 = vector.broadcast %ne3A : i32 to vector<400x1xi32>
    %ne3A_45 = arith.cmpi ne, %rem3A_43, %ne3A_44 : vector<400x1xi32>
    %lt3A = arith.constant 0 : i32
    %lt3A_46 = vector.broadcast %lt3A : i32 to vector<400x1xi32>
    %lt3A_47 = arith.cmpi slt, %rem3A_43, %lt3A_46 : vector<400x1xi32>
    %lt3A_48 = arith.constant 0 : i32
    %lt3A_49 = arith.cmpi slt, %select_n3A_42, %lt3A_48 : i32
    %ne3A_50 = vector.broadcast %lt3A_49 : i1 to vector<400x1xi1>
    %ne3A_51 = vector.broadcast %ne3A_50 : vector<400x1xi1> to vector<400x1xi1>
    %ne3A_52 = arith.xori %lt3A_47, %ne3A_51 : vector<400x1xi1>
    %and3A = arith.andi %ne3A_52, %ne3A_45 : vector<400x1xi1>
    %add3A_53 = vector.broadcast %select_n3A_42 : i32 to vector<400x1xi32>
    %add3A_54 = arith.addi %rem3A_43, %add3A_53 : vector<400x1xi32>
    %select_n3A_55 = arith.select %and3A, %add3A_54, %rem3A_43 : vector<400x1xi1>, vector<400x1xi32>
    %iota3A = tpu.iota {dimensions = array<i32: 1>} : vector<1x32xi32>
    %eq3A_56 = vector.broadcast %select_n3A_55 : vector<400x1xi32> to vector<400x32xi32>
    %eq3A_57 = vector.broadcast %iota3A : vector<1x32xi32> to vector<400x32xi32>
    %eq3A_58 = arith.cmpi eq, %eq3A_56, %eq3A_57 : vector<400x32xi32>
    %convert_element_type3A_59 = arith.extui %eq3A_58 : vector<400x32xi1> to vector<400x32xi32>
    %convert_element_type3A_60 = arith.sitofp %convert_element_type3A_59 : vector<400x32xi32> to vector<400x32xf32>
    %get3A_61 = arith.constant 0 : index
    %get3A_62 = arith.constant 0 : index
    %get3A_63 = vector.load %arg6[%get3A_61, %get3A_62] : memref<32x32xf32, #tpu.memory_space<vmem>>, vector<32x32xf32>
    %dot_general3A = arith.constant dense<0.000000e+00> : vector<400x32xf32>
    %dot_general3A_64 = tpu.matmul %convert_element_type3A_60, %get3A_63, %dot_general3A {dimension_numbers = #tpu.dot_dimension_numbers<[1], [0], [0], [1], [0, 0, 1, 1], [], []>, transpose_lhs_hint = false} : vector<400x32xf32>, vector<32x32xf32>, vector<400x32xf32> -> vector<400x32xf32>
    %get3A_65 = arith.constant 0 : index
    %get3A_66 = arith.constant 0 : index
    %get3A_67 = vector.load %arg8[%get3A_65, %get3A_66] : memref<256x256xf32, #tpu.memory_space<vmem>>, vector<256x256xf32>
    %dot_general3A_68 = arith.constant dense<0.000000e+00> : vector<400x256xf32>
    %dot_general3A_69 = tpu.matmul %max3A_31, %get3A_67, %dot_general3A_68 {dimension_numbers = #tpu.dot_dimension_numbers<[1], [0], [0], [1], [0, 0, 1, 1], [], []>, transpose_lhs_hint = false} : vector<400x256xf32>, vector<256x256xf32>, vector<400x256xf32> -> vector<400x256xf32>
    %get3A_70 = arith.constant 0 : index
    %get3A_71 = arith.constant 0 : index
    %get3A_72 = vector.load %arg4[%get3A_70, %get3A_71] : memref<400x128xf32, #tpu.memory_space<vmem>>, vector<400x128xf32>
    %get3A_73 = arith.constant 0 : index
    %get3A_74 = arith.constant 0 : index
    %get3A_75 = vector.load %arg9[%get3A_73, %get3A_74] : memref<128x256xf32, #tpu.memory_space<vmem>>, vector<128x256xf32>
    %dot_general3A_76 = arith.constant dense<0.000000e+00> : vector<400x256xf32>
    %dot_general3A_77 = tpu.matmul %get3A_72, %get3A_75, %dot_general3A_76 {dimension_numbers = #tpu.dot_dimension_numbers<[1], [0], [0], [1], [0, 0, 1, 1], [], []>, transpose_lhs_hint = false} : vector<400x128xf32>, vector<128x256xf32>, vector<400x256xf32> -> vector<400x256xf32>
    %add3A_78 = arith.addf %dot_general3A_69, %dot_general3A_77 : vector<400x256xf32>
    %get3A_79 = arith.constant 0 : index
    %get3A_80 = arith.constant 0 : index
    %get3A_81 = vector.load %arg10[%get3A_79, %get3A_80] : memref<32x256xf32, #tpu.memory_space<vmem>>, vector<32x256xf32>
    %dot_general3A_82 = arith.constant dense<0.000000e+00> : vector<400x256xf32>
    %dot_general3A_83 = tpu.matmul %dot_general3A_64, %get3A_81, %dot_general3A_82 {dimension_numbers = #tpu.dot_dimension_numbers<[1], [0], [0], [1], [0, 0, 1, 1], [], []>, transpose_lhs_hint = false} : vector<400x32xf32>, vector<32x256xf32>, vector<400x256xf32> -> vector<400x256xf32>
    %add3A_84 = arith.addf %add3A_78, %dot_general3A_83 : vector<400x256xf32>
    %mul3A_85 = vector.broadcast %select_n3A : vector<400x1xf32> to vector<400x256xf32>
    %mul3A_86 = arith.mulf %mul3A_85, %add3A_84 : vector<400x256xf32>
    %slice3A = vector.extract_strided_slice %mul3A_86 {offsets = [0, 0], sizes = [400, 128], strides = [1, 1]} : vector<400x256xf32> to vector<400x128xf32>
    %swap3A = arith.constant 0 : index
    %swap3A_87 = arith.constant 0 : index
    %swap3A_88 = arith.constant 0 : index
    %swap3A_89 = vector.load %arg12[%swap3A, %swap3A_87, %swap3A_88] : memref<2x400x128xf32, #tpu.memory_space<vmem>>, vector<1x400x128xf32>
    %swap3A_90 = vector.shape_cast %swap3A_89 : vector<1x400x128xf32> to vector<400x128xf32>
    %swap3A_91 = vector.shape_cast %slice3A : vector<400x128xf32> to vector<1x400x128xf32>
    tpu.vector_store %arg12[%swap3A, %swap3A_87, %swap3A_88], %swap3A_91 {strides = array<i32>} : memref<2x400x128xf32, #tpu.memory_space<vmem>>, vector<1x400x128xf32>,
    %slice3A_92 = vector.extract_strided_slice %mul3A_86 {offsets = [0, 128], sizes = [400, 128], strides = [1, 1]} : vector<400x256xf32> to vector<400x128xf32>
    %swap3A_93 = arith.constant 1 : index
    %swap3A_94 = arith.constant 0 : index
    %swap3A_95 = arith.constant 0 : index
    %swap3A_96 = vector.load %arg12[%swap3A_93, %swap3A_94, %swap3A_95] : memref<2x400x128xf32, #tpu.memory_space<vmem>>, vector<1x400x128xf32>
    %swap3A_97 = vector.shape_cast %swap3A_96 : vector<1x400x128xf32> to vector<400x128xf32>
    %swap3A_98 = vector.shape_cast %slice3A_92 : vector<400x128xf32> to vector<1x400x128xf32>
    tpu.vector_store %arg12[%swap3A_93, %swap3A_94, %swap3A_95], %swap3A_98 {strides = array<i32>} : memref<2x400x128xf32, #tpu.memory_space<vmem>>, vector<1x400x128xf32>,
    %mul3A_99 = arith.mulf %select_n3A, %select_n3A : vector<400x1xf32>
    %mul3A_100 = vector.broadcast %mul3A_99 : vector<400x1xf32> to vector<400x256xf32>
    %mul3A_101 = arith.mulf %mul3A_100, %add3A_84 : vector<400x256xf32>
    %get3A_102 = arith.constant 0 : index
    %get3A_103 = arith.constant 0 : index
    %get3A_104 = vector.load %arg11[%get3A_102, %get3A_103] : memref<1x256xf32, #tpu.memory_space<vmem>>, vector<1x256xf32>
    %add3A_105 = vector.broadcast %get3A_104 : vector<1x256xf32> to vector<400x256xf32>
    %add3A_106 = arith.addf %mul3A_101, %add3A_105 : vector<400x256xf32>
    %swap3A_107 = arith.constant 0 : index
    %swap3A_108 = arith.constant 0 : index
    %swap3A_109 = vector.load %arg13[%swap3A_107, %swap3A_108] : memref<400x256xf32, #tpu.memory_space<vmem>>, vector<400x256xf32>
    tpu.vector_store %arg13[%swap3A_107, %swap3A_108], %add3A_106 {strides = array<i32>} : memref<400x256xf32, #tpu.memory_space<vmem>>, vector<400x256xf32>,
    %swap3A_110 = arith.constant 0 : index
    %swap3A_111 = arith.constant 0 : index
    %swap3A_112 = vector.load %arg14[%swap3A_110, %swap3A_111] : memref<400x1xf32, #tpu.memory_space<vmem>>, vector<400x1xf32>
    tpu.vector_store %arg14[%swap3A_110, %swap3A_111], %select_n3A {strides = array<i32>} : memref<400x1xf32, #tpu.memory_space<vmem>>, vector<400x1xf32>,
    return
  }
  func.func @transform_0(%arg0: i32) -> (i32, i32, i32) {
    %c0_i32 = arith.constant 0 : i32
    %c0_i32_0 = arith.constant 0 : i32
    %c0_i32_1 = arith.constant 0 : i32
    return %c0_i32, %arg0, %c0_i32_0 : i32, i32, i32
  }
  func.func @transform_1(%arg0: i32) -> (i32, i32) {
    %c0_i32 = arith.constant 0 : i32
    %c0_i32_0 = arith.constant 0 : i32
    return %arg0, %c0_i32 : i32, i32
  }
  func.func @transform_2(%arg0: i32) -> (i32, i32) {
    %c0_i32 = arith.constant 0 : i32
    %c0_i32_0 = arith.constant 0 : i32
    return %arg0, %c0_i32 : i32, i32
  }
  func.func @transform_3(%arg0: i32) -> (i32, i32) {
    %c0_i32 = arith.constant 0 : i32
    %c0_i32_0 = arith.constant 0 : i32
    return %arg0, %c0_i32 : i32, i32
  }
  func.func @transform_4(%arg0: i32) -> (i32, i32) {
    %c0_i32 = arith.constant 0 : i32
    %c0_i32_0 = arith.constant 0 : i32
    return %arg0, %c0_i32 : i32, i32
  }
  func.func @transform_5(%arg0: i32) -> (i32, i32) {
    %c0_i32 = arith.constant 0 : i32
    %c0_i32_0 = arith.constant 0 : i32
    %c0_i32_1 = arith.constant 0 : i32
    return %c0_i32, %c0_i32_0 : i32, i32
  }
  func.func @transform_6(%arg0: i32) -> (i32, i32) {
    %c0_i32 = arith.constant 0 : i32
    %c0_i32_0 = arith.constant 0 : i32
    %c0_i32_1 = arith.constant 0 : i32
    return %c0_i32, %c0_i32_0 : i32, i32
  }
  func.func @transform_7(%arg0: i32) -> (i32, i32) {
    %c0_i32 = arith.constant 0 : i32
    %c0_i32_0 = arith.constant 0 : i32
    %c0_i32_1 = arith.constant 0 : i32
    return %c0_i32, %c0_i32_0 : i32, i32
  }
  func.func @transform_8(%arg0: i32) -> (i32, i32) {
    %c0_i32 = arith.constant 0 : i32
    %c0_i32_0 = arith.constant 0 : i32
    %c0_i32_1 = arith.constant 0 : i32
    return %c0_i32, %c0_i32_0 : i32, i32
  }
  func.func @transform_9(%arg0: i32) -> (i32, i32) {
    %c0_i32 = arith.constant 0 : i32
    %c0_i32_0 = arith.constant 0 : i32
    %c0_i32_1 = arith.constant 0 : i32
    return %c0_i32, %c0_i32_0 : i32, i32
  }
  func.func @transform_10(%arg0: i32) -> (i32, i32) {
    %c0_i32 = arith.constant 0 : i32
    %c0_i32_0 = arith.constant 0 : i32
    %c0_i32_1 = arith.constant 0 : i32
    return %c0_i32, %c0_i32_0 : i32, i32
  }
  func.func @transform_11(%arg0: i32) -> (i32, i32, i32) {
    %c0_i32 = arith.constant 0 : i32
    %c0_i32_0 = arith.constant 0 : i32
    %c0_i32_1 = arith.constant 0 : i32
    return %c0_i32, %arg0, %c0_i32_0 : i32, i32, i32
  }
  func.func @transform_12(%arg0: i32) -> (i32, i32) {
    %c0_i32 = arith.constant 0 : i32
    %c0_i32_0 = arith.constant 0 : i32
    return %arg0, %c0_i32 : i32, i32
  }
  func.func @transform_13(%arg0: i32) -> (i32, i32) {
    %c0_i32 = arith.constant 0 : i32
    %c0_i32_0 = arith.constant 0 : i32
    return %arg0, %c0_i32 : i32, i32
  }
}

module attributes {stable_mosaic.version = 14 : i64} {
  func.func @_stage_d(%arg0: i32, %arg1: memref<2x400x128xf32, #tpu.memory_space<vmem>>, %arg2: memref<400x256xf32, #tpu.memory_space<vmem>>, %arg3: memref<400x1xf32, #tpu.memory_space<vmem>>, %arg4: memref<400x1xf32, #tpu.memory_space<vmem>>, %arg5: memref<32x32xf32, #tpu.memory_space<vmem>>, %arg6: memref<288x256xf32, #tpu.memory_space<vmem>>, %arg7: memref<1x256xf32, #tpu.memory_space<vmem>>, %arg8: memref<288x256xf32, #tpu.memory_space<vmem>>, %arg9: memref<1x256xf32, #tpu.memory_space<vmem>>, %arg10: memref<288x256xf32, #tpu.memory_space<vmem>>, %arg11: memref<1x256xf32, #tpu.memory_space<vmem>>, %arg12: memref<256x256xf32, #tpu.memory_space<vmem>>, %arg13: memref<1x256xf32, #tpu.memory_space<vmem>>, %arg14: memref<400x256xf32, #tpu.memory_space<vmem>>) attributes {dimension_semantics = [#tpu.dimension_semantics<arbitrary>], iteration_bounds = array<i64: 25>, scalar_prefetch = 0 : i64, scratch_operands = 0 : i64, tpu.core_type = #tpu.core_type<tc>, window_params = [{transform_indices = @transform_0, window_bounds = array<i64: 2, 400, 128>}, {transform_indices = @transform_1, window_bounds = array<i64: 400, 256>}, {transform_indices = @transform_2, window_bounds = array<i64: 400, 1>}, {transform_indices = @transform_3, window_bounds = array<i64: 400, 1>}, {pipeline_mode = #tpu.pipeline_mode<synchronous>, transform_indices = @transform_4, window_bounds = array<i64: 32, 32>}, {pipeline_mode = #tpu.pipeline_mode<synchronous>, transform_indices = @transform_5, window_bounds = array<i64: 288, 256>}, {pipeline_mode = #tpu.pipeline_mode<synchronous>, transform_indices = @transform_6, window_bounds = array<i64: 1, 256>}, {pipeline_mode = #tpu.pipeline_mode<synchronous>, transform_indices = @transform_7, window_bounds = array<i64: 288, 256>}, {pipeline_mode = #tpu.pipeline_mode<synchronous>, transform_indices = @transform_8, window_bounds = array<i64: 1, 256>}, {pipeline_mode = #tpu.pipeline_mode<synchronous>, transform_indices = @transform_9, window_bounds = array<i64: 288, 256>}, {pipeline_mode = #tpu.pipeline_mode<synchronous>, transform_indices = @transform_10, window_bounds = array<i64: 1, 256>}, {pipeline_mode = #tpu.pipeline_mode<synchronous>, transform_indices = @transform_11, window_bounds = array<i64: 256, 256>}, {pipeline_mode = #tpu.pipeline_mode<synchronous>, transform_indices = @transform_12, window_bounds = array<i64: 1, 256>}, {transform_indices = @transform_13, window_bounds = array<i64: 400, 256>}]} {
    %get3A = arith.constant 0 : index
    %get3A_0 = arith.constant 0 : index
    %get3A_1 = vector.load %arg3[%get3A, %get3A_0] : memref<400x1xf32, #tpu.memory_space<vmem>>, vector<400x1xf32>
    %get3A_2 = arith.constant 0 : index
    %get3A_3 = arith.constant 0 : index
    %get3A_4 = arith.constant 0 : index
    %get3A_5 = vector.load %arg1[%get3A_2, %get3A_3, %get3A_4] : memref<2x400x128xf32, #tpu.memory_space<vmem>>, vector<1x400x128xf32>
    %get3A_6 = vector.shape_cast %get3A_5 : vector<1x400x128xf32> to vector<400x128xf32>
    %get3A_7 = arith.constant 1 : index
    %get3A_8 = arith.constant 0 : index
    %get3A_9 = arith.constant 0 : index
    %get3A_10 = vector.load %arg1[%get3A_7, %get3A_8, %get3A_9] : memref<2x400x128xf32, #tpu.memory_space<vmem>>, vector<1x400x128xf32>
    %get3A_11 = vector.shape_cast %get3A_10 : vector<1x400x128xf32> to vector<400x128xf32>
    %concatenate3A = tpu.concatenate %get3A_6, %get3A_11 in 1 : vector<400x128xf32>, vector<400x128xf32> -> vector<400x256xf32>
    %mul3A = vector.broadcast %get3A_1 : vector<400x1xf32> to vector<400x256xf32>
    %mul3A_12 = arith.mulf %mul3A, %concatenate3A : vector<400x256xf32>
    %get3A_13 = arith.constant 0 : index
    %get3A_14 = arith.constant 0 : index
    %get3A_15 = vector.load %arg2[%get3A_13, %get3A_14] : memref<400x256xf32, #tpu.memory_space<vmem>>, vector<400x256xf32>
    %add3A = arith.addf %mul3A_12, %get3A_15 : vector<400x256xf32>
    %get3A_16 = arith.constant 0 : index
    %get3A_17 = arith.constant 0 : index
    %get3A_18 = vector.load %arg4[%get3A_16, %get3A_17] : memref<400x1xf32, #tpu.memory_space<vmem>>, vector<400x1xf32>
    %div3A = arith.constant 1.000000e+03 : f32
    %div3A_19 = vector.broadcast %div3A : f32 to vector<400x1xf32>
    %div3A_20 = arith.divf %get3A_18, %div3A_19 : vector<400x1xf32>
    %mul3A_21 = arith.constant 3.200000e+01 : f32
    %mul3A_22 = vector.broadcast %mul3A_21 : f32 to vector<400x1xf32>
    %mul3A_23 = arith.mulf %div3A_20, %mul3A_22 : vector<400x1xf32>
    %convert_element_type3A = arith.fptosi %mul3A_23 : vector<400x1xf32> to vector<400x1xi32>
    %jit3A = arith.constant 32 : i32
    %eq3A = arith.constant 0 : i32
    %eq3A_24 = arith.cmpi eq, %jit3A, %eq3A : i32
    %jit3A_25 = arith.constant 1 : i32
    %select_n3A = arith.select %eq3A_24, %jit3A_25, %jit3A : i32
    %rem3A = vector.broadcast %select_n3A : i32 to vector<400x1xi32>
    %rem3A_26 = arith.remsi %convert_element_type3A, %rem3A : vector<400x1xi32>
    %ne3A = arith.constant 0 : i32
    %ne3A_27 = vector.broadcast %ne3A : i32 to vector<400x1xi32>
    %ne3A_28 = arith.cmpi ne, %rem3A_26, %ne3A_27 : vector<400x1xi32>
    %lt3A = arith.constant 0 : i32
    %lt3A_29 = vector.broadcast %lt3A : i32 to vector<400x1xi32>
    %lt3A_30 = arith.cmpi slt, %rem3A_26, %lt3A_29 : vector<400x1xi32>
    %lt3A_31 = arith.constant 0 : i32
    %lt3A_32 = arith.cmpi slt, %select_n3A, %lt3A_31 : i32
    %ne3A_33 = vector.broadcast %lt3A_32 : i1 to vector<400x1xi1>
    %ne3A_34 = vector.broadcast %ne3A_33 : vector<400x1xi1> to vector<400x1xi1>
    %ne3A_35 = arith.xori %lt3A_30, %ne3A_34 : vector<400x1xi1>
    %and3A = arith.andi %ne3A_35, %ne3A_28 : vector<400x1xi1>
    %add3A_36 = vector.broadcast %select_n3A : i32 to vector<400x1xi32>
    %add3A_37 = arith.addi %rem3A_26, %add3A_36 : vector<400x1xi32>
    %select_n3A_38 = arith.select %and3A, %add3A_37, %rem3A_26 : vector<400x1xi1>, vector<400x1xi32>
    %iota3A = tpu.iota {dimensions = array<i32: 1>} : vector<1x32xi32>
    %eq3A_39 = vector.broadcast %select_n3A_38 : vector<400x1xi32> to vector<400x32xi32>
    %eq3A_40 = vector.broadcast %iota3A : vector<1x32xi32> to vector<400x32xi32>
    %eq3A_41 = arith.cmpi eq, %eq3A_39, %eq3A_40 : vector<400x32xi32>
    %convert_element_type3A_42 = arith.extui %eq3A_41 : vector<400x32xi1> to vector<400x32xi32>
    %convert_element_type3A_43 = arith.sitofp %convert_element_type3A_42 : vector<400x32xi32> to vector<400x32xf32>
    %get3A_44 = arith.constant 0 : index
    %get3A_45 = arith.constant 0 : index
    %get3A_46 = vector.load %arg5[%get3A_44, %get3A_45] : memref<32x32xf32, #tpu.memory_space<vmem>>, vector<32x32xf32>
    %dot_general3A = arith.constant dense<0.000000e+00> : vector<400x32xf32>
    %dot_general3A_47 = tpu.matmul %convert_element_type3A_43, %get3A_46, %dot_general3A {dimension_numbers = #tpu.dot_dimension_numbers<[1], [0], [0], [1], [0, 0, 1, 1], [], []>, transpose_lhs_hint = false} : vector<400x32xf32>, vector<32x32xf32>, vector<400x32xf32> -> vector<400x32xf32>
    %get3A_48 = arith.constant 0 : index
    %get3A_49 = arith.constant 0 : index
    %get3A_50 = vector.load %arg6[%get3A_48, %get3A_49] : memref<288x256xf32, #tpu.memory_space<vmem>>, vector<256x256xf32>
    %dot_general3A_51 = arith.constant dense<0.000000e+00> : vector<400x256xf32>
    %dot_general3A_52 = tpu.matmul %add3A, %get3A_50, %dot_general3A_51 {dimension_numbers = #tpu.dot_dimension_numbers<[1], [0], [0], [1], [0, 0, 1, 1], [], []>, transpose_lhs_hint = false} : vector<400x256xf32>, vector<256x256xf32>, vector<400x256xf32> -> vector<400x256xf32>
    %get3A_53 = arith.constant 256 : index
    %get3A_54 = arith.constant 0 : index
    %get3A_55 = vector.load %arg6[%get3A_53, %get3A_54] : memref<288x256xf32, #tpu.memory_space<vmem>>, vector<32x256xf32>
    %dot_general3A_56 = arith.constant dense<0.000000e+00> : vector<400x256xf32>
    %dot_general3A_57 = tpu.matmul %dot_general3A_47, %get3A_55, %dot_general3A_56 {dimension_numbers = #tpu.dot_dimension_numbers<[1], [0], [0], [1], [0, 0, 1, 1], [], []>, transpose_lhs_hint = false} : vector<400x32xf32>, vector<32x256xf32>, vector<400x256xf32> -> vector<400x256xf32>
    %add3A_58 = arith.addf %dot_general3A_52, %dot_general3A_57 : vector<400x256xf32>
    %get3A_59 = arith.constant 0 : index
    %get3A_60 = arith.constant 0 : index
    %get3A_61 = vector.load %arg7[%get3A_59, %get3A_60] : memref<1x256xf32, #tpu.memory_space<vmem>>, vector<1x256xf32>
    %add3A_62 = vector.broadcast %get3A_61 : vector<1x256xf32> to vector<400x256xf32>
    %add3A_63 = arith.addf %add3A_58, %add3A_62 : vector<400x256xf32>
    %get3A_64 = arith.constant 0 : index
    %get3A_65 = arith.constant 0 : index
    %get3A_66 = vector.load %arg8[%get3A_64, %get3A_65] : memref<288x256xf32, #tpu.memory_space<vmem>>, vector<256x256xf32>
    %dot_general3A_67 = arith.constant dense<0.000000e+00> : vector<400x256xf32>
    %dot_general3A_68 = tpu.matmul %add3A, %get3A_66, %dot_general3A_67 {dimension_numbers = #tpu.dot_dimension_numbers<[1], [0], [0], [1], [0, 0, 1, 1], [], []>, transpose_lhs_hint = false} : vector<400x256xf32>, vector<256x256xf32>, vector<400x256xf32> -> vector<400x256xf32>
    %get3A_69 = arith.constant 256 : index
    %get3A_70 = arith.constant 0 : index
    %get3A_71 = vector.load %arg8[%get3A_69, %get3A_70] : memref<288x256xf32, #tpu.memory_space<vmem>>, vector<32x256xf32>
    %dot_general3A_72 = arith.constant dense<0.000000e+00> : vector<400x256xf32>
    %dot_general3A_73 = tpu.matmul %dot_general3A_47, %get3A_71, %dot_general3A_72 {dimension_numbers = #tpu.dot_dimension_numbers<[1], [0], [0], [1], [0, 0, 1, 1], [], []>, transpose_lhs_hint = false} : vector<400x32xf32>, vector<32x256xf32>, vector<400x256xf32> -> vector<400x256xf32>
    %add3A_74 = arith.addf %dot_general3A_68, %dot_general3A_73 : vector<400x256xf32>
    %get3A_75 = arith.constant 0 : index
    %get3A_76 = arith.constant 0 : index
    %get3A_77 = vector.load %arg9[%get3A_75, %get3A_76] : memref<1x256xf32, #tpu.memory_space<vmem>>, vector<1x256xf32>
    %add3A_78 = vector.broadcast %get3A_77 : vector<1x256xf32> to vector<400x256xf32>
    %add3A_79 = arith.addf %add3A_74, %add3A_78 : vector<400x256xf32>
    %get3A_80 = arith.constant 0 : index
    %get3A_81 = arith.constant 0 : index
    %get3A_82 = vector.load %arg10[%get3A_80, %get3A_81] : memref<288x256xf32, #tpu.memory_space<vmem>>, vector<256x256xf32>
    %dot_general3A_83 = arith.constant dense<0.000000e+00> : vector<400x256xf32>
    %dot_general3A_84 = tpu.matmul %add3A, %get3A_82, %dot_general3A_83 {dimension_numbers = #tpu.dot_dimension_numbers<[1], [0], [0], [1], [0, 0, 1, 1], [], []>, transpose_lhs_hint = false} : vector<400x256xf32>, vector<256x256xf32>, vector<400x256xf32> -> vector<400x256xf32>
    %get3A_85 = arith.constant 256 : index
    %get3A_86 = arith.constant 0 : index
    %get3A_87 = vector.load %arg10[%get3A_85, %get3A_86] : memref<288x256xf32, #tpu.memory_space<vmem>>, vector<32x256xf32>
    %dot_general3A_88 = arith.constant dense<0.000000e+00> : vector<400x256xf32>
    %dot_general3A_89 = tpu.matmul %dot_general3A_47, %get3A_87, %dot_general3A_88 {dimension_numbers = #tpu.dot_dimension_numbers<[1], [0], [0], [1], [0, 0, 1, 1], [], []>, transpose_lhs_hint = false} : vector<400x32xf32>, vector<32x256xf32>, vector<400x256xf32> -> vector<400x256xf32>
    %add3A_90 = arith.addf %dot_general3A_84, %dot_general3A_89 : vector<400x256xf32>
    %get3A_91 = arith.constant 0 : index
    %get3A_92 = arith.constant 0 : index
    %get3A_93 = vector.load %arg11[%get3A_91, %get3A_92] : memref<1x256xf32, #tpu.memory_space<vmem>>, vector<1x256xf32>
    %add3A_94 = vector.broadcast %get3A_93 : vector<1x256xf32> to vector<400x256xf32>
    %add3A_95 = arith.addf %add3A_90, %add3A_94 : vector<400x256xf32>
    %iota3A_96 = tpu.iota {dimensions = array<i32: 0>} : vector<256x8xi32>
    %jit3A_97 = arith.constant 32 : i32
    %div3A_98 = vector.broadcast %jit3A_97 : i32 to vector<256x8xi32>
    %div3A_99 = arith.divsi %iota3A_96, %div3A_98 : vector<256x8xi32>
    %sign3A = arith.constant 0 : i32
    %sign3A_100 = vector.broadcast %sign3A : i32 to vector<256x8xi32>
    %sign3A_101 = arith.cmpi sgt, %iota3A_96, %sign3A_100 : vector<256x8xi32>
    %sign3A_102 = arith.extui %sign3A_101 : vector<256x8xi1> to vector<256x8xi32>
    %sign3A_103 = arith.constant 0 : i32
    %sign3A_104 = vector.broadcast %sign3A_103 : i32 to vector<256x8xi32>
    %sign3A_105 = arith.cmpi slt, %iota3A_96, %sign3A_104 : vector<256x8xi32>
    %sign3A_106 = arith.extui %sign3A_105 : vector<256x8xi1> to vector<256x8xi32>
    %sign3A_107 = arith.subi %sign3A_102, %sign3A_106 : vector<256x8xi32>
    %sign3A_108 = arith.constant 0 : i32
    %sign3A_109 = arith.cmpi sgt, %jit3A_97, %sign3A_108 : i32
    %sign3A_110 = arith.extui %sign3A_109 : i1 to i32
    %sign3A_111 = arith.constant 0 : i32
    %sign3A_112 = arith.cmpi slt, %jit3A_97, %sign3A_111 : i32
    %sign3A_113 = arith.extui %sign3A_112 : i1 to i32
    %sign3A_114 = arith.subi %sign3A_110, %sign3A_113 : i32
    %ne3A_115 = vector.broadcast %sign3A_114 : i32 to vector<256x8xi32>
    %ne3A_116 = arith.cmpi ne, %sign3A_107, %ne3A_115 : vector<256x8xi32>
    %rem3A_117 = vector.broadcast %jit3A_97 : i32 to vector<256x8xi32>
    %rem3A_118 = arith.remsi %iota3A_96, %rem3A_117 : vector<256x8xi32>
    %ne3A_119 = arith.constant 0 : i32
    %ne3A_120 = vector.broadcast %ne3A_119 : i32 to vector<256x8xi32>
    %ne3A_121 = arith.cmpi ne, %rem3A_118, %ne3A_120 : vector<256x8xi32>
    %and3A_122 = arith.andi %ne3A_116, %ne3A_121 : vector<256x8xi1>
    %sub3A = arith.constant 1 : i32
    %sub3A_123 = vector.broadcast %sub3A : i32 to vector<256x8xi32>
    %sub3A_124 = arith.subi %div3A_99, %sub3A_123 : vector<256x8xi32>
    %select_n3A_125 = arith.select %and3A_122, %sub3A_124, %div3A_99 : vector<256x8xi1>, vector<256x8xi32>
    %iota3A_126 = tpu.iota {dimensions = array<i32: 1>} : vector<256x8xi32>
    %eq3A_127 = arith.cmpi eq, %select_n3A_125, %iota3A_126 : vector<256x8xi32>
    %convert_element_type3A_128 = arith.extui %eq3A_127 : vector<256x8xi1> to vector<256x8xi32>
    %convert_element_type3A_129 = arith.sitofp %convert_element_type3A_128 : vector<256x8xi32> to vector<256x8xf32>
    %slice3A = vector.extract_strided_slice %add3A_63 {offsets = [0, 0], sizes = [400, 32], strides = [1, 1]} : vector<400x256xf32> to vector<400x32xf32>
    %concatenate3A_130 = tpu.concatenate %slice3A, %slice3A, %slice3A, %slice3A, %slice3A, %slice3A, %slice3A, %slice3A in 1 : vector<400x32xf32>, vector<400x32xf32>, vector<400x32xf32>, vector<400x32xf32>, vector<400x32xf32>, vector<400x32xf32>, vector<400x32xf32>, vector<400x32xf32> -> vector<400x256xf32>
    %mul3A_131 = arith.mulf %add3A_79, %concatenate3A_130 : vector<400x256xf32>
    %dot_general3A_132 = arith.constant dense<0.000000e+00> : vector<400x8xf32>
    %dot_general3A_133 = tpu.matmul %mul3A_131, %convert_element_type3A_129, %dot_general3A_132 {dimension_numbers = #tpu.dot_dimension_numbers<[1], [0], [0], [1], [0, 0, 1, 1], [], []>, transpose_lhs_hint = false} : vector<400x256xf32>, vector<256x8xf32>, vector<400x8xf32> -> vector<400x8xf32>
    %mul3A_134 = arith.constant 0.176776692 : f32
    %mul3A_135 = vector.broadcast %mul3A_134 : f32 to vector<400x8xf32>
    %mul3A_136 = arith.mulf %dot_general3A_133, %mul3A_135 : vector<400x8xf32>
    %reduce_max3A = arith.constant dense<0xFF800000> : vector<400xf32>
    %reduce_max3A_137 = vector.multi_reduction <maximumf>, %mul3A_136, %reduce_max3A [1] : vector<400x8xf32> to vector<400xf32>
    %broadcast_in_dim3A = vector.shape_cast %reduce_max3A_137 : vector<400xf32> to vector<400x1xf32>
    %sub3A_138 = vector.broadcast %broadcast_in_dim3A : vector<400x1xf32> to vector<400x8xf32>
    %sub3A_139 = arith.subf %mul3A_136, %sub3A_138 : vector<400x8xf32>
    %exp3A = math.exp %sub3A_139 : vector<400x8xf32>
    %reduce_sum3A = arith.constant dense<0.000000e+00> : vector<400xf32>
    %reduce_sum3A_140 = vector.multi_reduction <add>, %exp3A, %reduce_sum3A [1] : vector<400x8xf32> to vector<400xf32>
    %broadcast_in_dim3A_141 = vector.shape_cast %reduce_sum3A_140 : vector<400xf32> to vector<400x1xf32>
    %div3A_142 = vector.broadcast %broadcast_in_dim3A_141 : vector<400x1xf32> to vector<400x8xf32>
    %div3A_143 = arith.divf %exp3A, %div3A_142 : vector<400x8xf32>
    %slice3A_144 = vector.extract_strided_slice %div3A_143 {offsets = [0, 0], sizes = [400, 1], strides = [1, 1]} : vector<400x8xf32> to vector<400x1xf32>
    %slice3A_145 = vector.extract_strided_slice %add3A_95 {offsets = [0, 0], sizes = [400, 32], strides = [1, 1]} : vector<400x256xf32> to vector<400x32xf32>
    %mul3A_146 = vector.broadcast %slice3A_144 : vector<400x1xf32> to vector<400x32xf32>
    %mul3A_147 = arith.mulf %mul3A_146, %slice3A_145 : vector<400x32xf32>
    %slice3A_148 = vector.extract_strided_slice %div3A_143 {offsets = [0, 1], sizes = [400, 1], strides = [1, 1]} : vector<400x8xf32> to vector<400x1xf32>
    %slice3A_149 = vector.extract_strided_slice %add3A_95 {offsets = [0, 32], sizes = [400, 32], strides = [1, 1]} : vector<400x256xf32> to vector<400x32xf32>
    %mul3A_150 = vector.broadcast %slice3A_148 : vector<400x1xf32> to vector<400x32xf32>
    %mul3A_151 = arith.mulf %mul3A_150, %slice3A_149 : vector<400x32xf32>
    %add3A_152 = arith.addf %mul3A_147, %mul3A_151 : vector<400x32xf32>
    %slice3A_153 = vector.extract_strided_slice %div3A_143 {offsets = [0, 2], sizes = [400, 1], strides = [1, 1]} : vector<400x8xf32> to vector<400x1xf32>
    %slice3A_154 = vector.extract_strided_slice %add3A_95 {offsets = [0, 64], sizes = [400, 32], strides = [1, 1]} : vector<400x256xf32> to vector<400x32xf32>
    %mul3A_155 = vector.broadcast %slice3A_153 : vector<400x1xf32> to vector<400x32xf32>
    %mul3A_156 = arith.mulf %mul3A_155, %slice3A_154 : vector<400x32xf32>
    %add3A_157 = arith.addf %add3A_152, %mul3A_156 : vector<400x32xf32>
    %slice3A_158 = vector.extract_strided_slice %div3A_143 {offsets = [0, 3], sizes = [400, 1], strides = [1, 1]} : vector<400x8xf32> to vector<400x1xf32>
    %slice3A_159 = vector.extract_strided_slice %add3A_95 {offsets = [0, 96], sizes = [400, 32], strides = [1, 1]} : vector<400x256xf32> to vector<400x32xf32>
    %mul3A_160 = vector.broadcast %slice3A_158 : vector<400x1xf32> to vector<400x32xf32>
    %mul3A_161 = arith.mulf %mul3A_160, %slice3A_159 : vector<400x32xf32>
    %add3A_162 = arith.addf %add3A_157, %mul3A_161 : vector<400x32xf32>
    %slice3A_163 = vector.extract_strided_slice %div3A_143 {offsets = [0, 4], sizes = [400, 1], strides = [1, 1]} : vector<400x8xf32> to vector<400x1xf32>
    %slice3A_164 = vector.extract_strided_slice %add3A_95 {offsets = [0, 128], sizes = [400, 32], strides = [1, 1]} : vector<400x256xf32> to vector<400x32xf32>
    %mul3A_165 = vector.broadcast %slice3A_163 : vector<400x1xf32> to vector<400x32xf32>
    %mul3A_166 = arith.mulf %mul3A_165, %slice3A_164 : vector<400x32xf32>
    %add3A_167 = arith.addf %add3A_162, %mul3A_166 : vector<400x32xf32>
    %slice3A_168 = vector.extract_strided_slice %div3A_143 {offsets = [0, 5], sizes = [400, 1], strides = [1, 1]} : vector<400x8xf32> to vector<400x1xf32>
    %slice3A_169 = vector.extract_strided_slice %add3A_95 {offsets = [0, 160], sizes = [400, 32], strides = [1, 1]} : vector<400x256xf32> to vector<400x32xf32>
    %mul3A_170 = vector.broadcast %slice3A_168 : vector<400x1xf32> to vector<400x32xf32>
    %mul3A_171 = arith.mulf %mul3A_170, %slice3A_169 : vector<400x32xf32>
    %add3A_172 = arith.addf %add3A_167, %mul3A_171 : vector<400x32xf32>
    %slice3A_173 = vector.extract_strided_slice %div3A_143 {offsets = [0, 6], sizes = [400, 1], strides = [1, 1]} : vector<400x8xf32> to vector<400x1xf32>
    %slice3A_174 = vector.extract_strided_slice %add3A_95 {offsets = [0, 192], sizes = [400, 32], strides = [1, 1]} : vector<400x256xf32> to vector<400x32xf32>
    %mul3A_175 = vector.broadcast %slice3A_173 : vector<400x1xf32> to vector<400x32xf32>
    %mul3A_176 = arith.mulf %mul3A_175, %slice3A_174 : vector<400x32xf32>
    %add3A_177 = arith.addf %add3A_172, %mul3A_176 : vector<400x32xf32>
    %slice3A_178 = vector.extract_strided_slice %div3A_143 {offsets = [0, 7], sizes = [400, 1], strides = [1, 1]} : vector<400x8xf32> to vector<400x1xf32>
    %slice3A_179 = vector.extract_strided_slice %add3A_95 {offsets = [0, 224], sizes = [400, 32], strides = [1, 1]} : vector<400x256xf32> to vector<400x32xf32>
    %mul3A_180 = vector.broadcast %slice3A_178 : vector<400x1xf32> to vector<400x32xf32>
    %mul3A_181 = arith.mulf %mul3A_180, %slice3A_179 : vector<400x32xf32>
    %add3A_182 = arith.addf %add3A_177, %mul3A_181 : vector<400x32xf32>
    %slice3A_183 = vector.extract_strided_slice %add3A_63 {offsets = [0, 32], sizes = [400, 32], strides = [1, 1]} : vector<400x256xf32> to vector<400x32xf32>
    %concatenate3A_184 = tpu.concatenate %slice3A_183, %slice3A_183, %slice3A_183, %slice3A_183, %slice3A_183, %slice3A_183, %slice3A_183, %slice3A_183 in 1 : vector<400x32xf32>, vector<400x32xf32>, vector<400x32xf32>, vector<400x32xf32>, vector<400x32xf32>, vector<400x32xf32>, vector<400x32xf32>, vector<400x32xf32> -> vector<400x256xf32>
    %mul3A_185 = arith.mulf %add3A_79, %concatenate3A_184 : vector<400x256xf32>
    %dot_general3A_186 = arith.constant dense<0.000000e+00> : vector<400x8xf32>
    %dot_general3A_187 = tpu.matmul %mul3A_185, %convert_element_type3A_129, %dot_general3A_186 {dimension_numbers = #tpu.dot_dimension_numbers<[1], [0], [0], [1], [0, 0, 1, 1], [], []>, transpose_lhs_hint = false} : vector<400x256xf32>, vector<256x8xf32>, vector<400x8xf32> -> vector<400x8xf32>
    %mul3A_188 = arith.constant 0.176776692 : f32
    %mul3A_189 = vector.broadcast %mul3A_188 : f32 to vector<400x8xf32>
    %mul3A_190 = arith.mulf %dot_general3A_187, %mul3A_189 : vector<400x8xf32>
    %reduce_max3A_191 = arith.constant dense<0xFF800000> : vector<400xf32>
    %reduce_max3A_192 = vector.multi_reduction <maximumf>, %mul3A_190, %reduce_max3A_191 [1] : vector<400x8xf32> to vector<400xf32>
    %broadcast_in_dim3A_193 = vector.shape_cast %reduce_max3A_192 : vector<400xf32> to vector<400x1xf32>
    %sub3A_194 = vector.broadcast %broadcast_in_dim3A_193 : vector<400x1xf32> to vector<400x8xf32>
    %sub3A_195 = arith.subf %mul3A_190, %sub3A_194 : vector<400x8xf32>
    %exp3A_196 = math.exp %sub3A_195 : vector<400x8xf32>
    %reduce_sum3A_197 = arith.constant dense<0.000000e+00> : vector<400xf32>
    %reduce_sum3A_198 = vector.multi_reduction <add>, %exp3A_196, %reduce_sum3A_197 [1] : vector<400x8xf32> to vector<400xf32>
    %broadcast_in_dim3A_199 = vector.shape_cast %reduce_sum3A_198 : vector<400xf32> to vector<400x1xf32>
    %div3A_200 = vector.broadcast %broadcast_in_dim3A_199 : vector<400x1xf32> to vector<400x8xf32>
    %div3A_201 = arith.divf %exp3A_196, %div3A_200 : vector<400x8xf32>
    %slice3A_202 = vector.extract_strided_slice %div3A_201 {offsets = [0, 0], sizes = [400, 1], strides = [1, 1]} : vector<400x8xf32> to vector<400x1xf32>
    %slice3A_203 = vector.extract_strided_slice %add3A_95 {offsets = [0, 0], sizes = [400, 32], strides = [1, 1]} : vector<400x256xf32> to vector<400x32xf32>
    %mul3A_204 = vector.broadcast %slice3A_202 : vector<400x1xf32> to vector<400x32xf32>
    %mul3A_205 = arith.mulf %mul3A_204, %slice3A_203 : vector<400x32xf32>
    %slice3A_206 = vector.extract_strided_slice %div3A_201 {offsets = [0, 1], sizes = [400, 1], strides = [1, 1]} : vector<400x8xf32> to vector<400x1xf32>
    %slice3A_207 = vector.extract_strided_slice %add3A_95 {offsets = [0, 32], sizes = [400, 32], strides = [1, 1]} : vector<400x256xf32> to vector<400x32xf32>
    %mul3A_208 = vector.broadcast %slice3A_206 : vector<400x1xf32> to vector<400x32xf32>
    %mul3A_209 = arith.mulf %mul3A_208, %slice3A_207 : vector<400x32xf32>
    %add3A_210 = arith.addf %mul3A_205, %mul3A_209 : vector<400x32xf32>
    %slice3A_211 = vector.extract_strided_slice %div3A_201 {offsets = [0, 2], sizes = [400, 1], strides = [1, 1]} : vector<400x8xf32> to vector<400x1xf32>
    %slice3A_212 = vector.extract_strided_slice %add3A_95 {offsets = [0, 64], sizes = [400, 32], strides = [1, 1]} : vector<400x256xf32> to vector<400x32xf32>
    %mul3A_213 = vector.broadcast %slice3A_211 : vector<400x1xf32> to vector<400x32xf32>
    %mul3A_214 = arith.mulf %mul3A_213, %slice3A_212 : vector<400x32xf32>
    %add3A_215 = arith.addf %add3A_210, %mul3A_214 : vector<400x32xf32>
    %slice3A_216 = vector.extract_strided_slice %div3A_201 {offsets = [0, 3], sizes = [400, 1], strides = [1, 1]} : vector<400x8xf32> to vector<400x1xf32>
    %slice3A_217 = vector.extract_strided_slice %add3A_95 {offsets = [0, 96], sizes = [400, 32], strides = [1, 1]} : vector<400x256xf32> to vector<400x32xf32>
    %mul3A_218 = vector.broadcast %slice3A_216 : vector<400x1xf32> to vector<400x32xf32>
    %mul3A_219 = arith.mulf %mul3A_218, %slice3A_217 : vector<400x32xf32>
    %add3A_220 = arith.addf %add3A_215, %mul3A_219 : vector<400x32xf32>
    %slice3A_221 = vector.extract_strided_slice %div3A_201 {offsets = [0, 4], sizes = [400, 1], strides = [1, 1]} : vector<400x8xf32> to vector<400x1xf32>
    %slice3A_222 = vector.extract_strided_slice %add3A_95 {offsets = [0, 128], sizes = [400, 32], strides = [1, 1]} : vector<400x256xf32> to vector<400x32xf32>
    %mul3A_223 = vector.broadcast %slice3A_221 : vector<400x1xf32> to vector<400x32xf32>
    %mul3A_224 = arith.mulf %mul3A_223, %slice3A_222 : vector<400x32xf32>
    %add3A_225 = arith.addf %add3A_220, %mul3A_224 : vector<400x32xf32>
    %slice3A_226 = vector.extract_strided_slice %div3A_201 {offsets = [0, 5], sizes = [400, 1], strides = [1, 1]} : vector<400x8xf32> to vector<400x1xf32>
    %slice3A_227 = vector.extract_strided_slice %add3A_95 {offsets = [0, 160], sizes = [400, 32], strides = [1, 1]} : vector<400x256xf32> to vector<400x32xf32>
    %mul3A_228 = vector.broadcast %slice3A_226 : vector<400x1xf32> to vector<400x32xf32>
    %mul3A_229 = arith.mulf %mul3A_228, %slice3A_227 : vector<400x32xf32>
    %add3A_230 = arith.addf %add3A_225, %mul3A_229 : vector<400x32xf32>
    %slice3A_231 = vector.extract_strided_slice %div3A_201 {offsets = [0, 6], sizes = [400, 1], strides = [1, 1]} : vector<400x8xf32> to vector<400x1xf32>
    %slice3A_232 = vector.extract_strided_slice %add3A_95 {offsets = [0, 192], sizes = [400, 32], strides = [1, 1]} : vector<400x256xf32> to vector<400x32xf32>
    %mul3A_233 = vector.broadcast %slice3A_231 : vector<400x1xf32> to vector<400x32xf32>
    %mul3A_234 = arith.mulf %mul3A_233, %slice3A_232 : vector<400x32xf32>
    %add3A_235 = arith.addf %add3A_230, %mul3A_234 : vector<400x32xf32>
    %slice3A_236 = vector.extract_strided_slice %div3A_201 {offsets = [0, 7], sizes = [400, 1], strides = [1, 1]} : vector<400x8xf32> to vector<400x1xf32>
    %slice3A_237 = vector.extract_strided_slice %add3A_95 {offsets = [0, 224], sizes = [400, 32], strides = [1, 1]} : vector<400x256xf32> to vector<400x32xf32>
    %mul3A_238 = vector.broadcast %slice3A_236 : vector<400x1xf32> to vector<400x32xf32>
    %mul3A_239 = arith.mulf %mul3A_238, %slice3A_237 : vector<400x32xf32>
    %add3A_240 = arith.addf %add3A_235, %mul3A_239 : vector<400x32xf32>
    %slice3A_241 = vector.extract_strided_slice %add3A_63 {offsets = [0, 64], sizes = [400, 32], strides = [1, 1]} : vector<400x256xf32> to vector<400x32xf32>
    %concatenate3A_242 = tpu.concatenate %slice3A_241, %slice3A_241, %slice3A_241, %slice3A_241, %slice3A_241, %slice3A_241, %slice3A_241, %slice3A_241 in 1 : vector<400x32xf32>, vector<400x32xf32>, vector<400x32xf32>, vector<400x32xf32>, vector<400x32xf32>, vector<400x32xf32>, vector<400x32xf32>, vector<400x32xf32> -> vector<400x256xf32>
    %mul3A_243 = arith.mulf %add3A_79, %concatenate3A_242 : vector<400x256xf32>
    %dot_general3A_244 = arith.constant dense<0.000000e+00> : vector<400x8xf32>
    %dot_general3A_245 = tpu.matmul %mul3A_243, %convert_element_type3A_129, %dot_general3A_244 {dimension_numbers = #tpu.dot_dimension_numbers<[1], [0], [0], [1], [0, 0, 1, 1], [], []>, transpose_lhs_hint = false} : vector<400x256xf32>, vector<256x8xf32>, vector<400x8xf32> -> vector<400x8xf32>
    %mul3A_246 = arith.constant 0.176776692 : f32
    %mul3A_247 = vector.broadcast %mul3A_246 : f32 to vector<400x8xf32>
    %mul3A_248 = arith.mulf %dot_general3A_245, %mul3A_247 : vector<400x8xf32>
    %reduce_max3A_249 = arith.constant dense<0xFF800000> : vector<400xf32>
    %reduce_max3A_250 = vector.multi_reduction <maximumf>, %mul3A_248, %reduce_max3A_249 [1] : vector<400x8xf32> to vector<400xf32>
    %broadcast_in_dim3A_251 = vector.shape_cast %reduce_max3A_250 : vector<400xf32> to vector<400x1xf32>
    %sub3A_252 = vector.broadcast %broadcast_in_dim3A_251 : vector<400x1xf32> to vector<400x8xf32>
    %sub3A_253 = arith.subf %mul3A_248, %sub3A_252 : vector<400x8xf32>
    %exp3A_254 = math.exp %sub3A_253 : vector<400x8xf32>
    %reduce_sum3A_255 = arith.constant dense<0.000000e+00> : vector<400xf32>
    %reduce_sum3A_256 = vector.multi_reduction <add>, %exp3A_254, %reduce_sum3A_255 [1] : vector<400x8xf32> to vector<400xf32>
    %broadcast_in_dim3A_257 = vector.shape_cast %reduce_sum3A_256 : vector<400xf32> to vector<400x1xf32>
    %div3A_258 = vector.broadcast %broadcast_in_dim3A_257 : vector<400x1xf32> to vector<400x8xf32>
    %div3A_259 = arith.divf %exp3A_254, %div3A_258 : vector<400x8xf32>
    %slice3A_260 = vector.extract_strided_slice %div3A_259 {offsets = [0, 0], sizes = [400, 1], strides = [1, 1]} : vector<400x8xf32> to vector<400x1xf32>
    %slice3A_261 = vector.extract_strided_slice %add3A_95 {offsets = [0, 0], sizes = [400, 32], strides = [1, 1]} : vector<400x256xf32> to vector<400x32xf32>
    %mul3A_262 = vector.broadcast %slice3A_260 : vector<400x1xf32> to vector<400x32xf32>
    %mul3A_263 = arith.mulf %mul3A_262, %slice3A_261 : vector<400x32xf32>
    %slice3A_264 = vector.extract_strided_slice %div3A_259 {offsets = [0, 1], sizes = [400, 1], strides = [1, 1]} : vector<400x8xf32> to vector<400x1xf32>
    %slice3A_265 = vector.extract_strided_slice %add3A_95 {offsets = [0, 32], sizes = [400, 32], strides = [1, 1]} : vector<400x256xf32> to vector<400x32xf32>
    %mul3A_266 = vector.broadcast %slice3A_264 : vector<400x1xf32> to vector<400x32xf32>
    %mul3A_267 = arith.mulf %mul3A_266, %slice3A_265 : vector<400x32xf32>
    %add3A_268 = arith.addf %mul3A_263, %mul3A_267 : vector<400x32xf32>
    %slice3A_269 = vector.extract_strided_slice %div3A_259 {offsets = [0, 2], sizes = [400, 1], strides = [1, 1]} : vector<400x8xf32> to vector<400x1xf32>
    %slice3A_270 = vector.extract_strided_slice %add3A_95 {offsets = [0, 64], sizes = [400, 32], strides = [1, 1]} : vector<400x256xf32> to vector<400x32xf32>
    %mul3A_271 = vector.broadcast %slice3A_269 : vector<400x1xf32> to vector<400x32xf32>
    %mul3A_272 = arith.mulf %mul3A_271, %slice3A_270 : vector<400x32xf32>
    %add3A_273 = arith.addf %add3A_268, %mul3A_272 : vector<400x32xf32>
    %slice3A_274 = vector.extract_strided_slice %div3A_259 {offsets = [0, 3], sizes = [400, 1], strides = [1, 1]} : vector<400x8xf32> to vector<400x1xf32>
    %slice3A_275 = vector.extract_strided_slice %add3A_95 {offsets = [0, 96], sizes = [400, 32], strides = [1, 1]} : vector<400x256xf32> to vector<400x32xf32>
    %mul3A_276 = vector.broadcast %slice3A_274 : vector<400x1xf32> to vector<400x32xf32>
    %mul3A_277 = arith.mulf %mul3A_276, %slice3A_275 : vector<400x32xf32>
    %add3A_278 = arith.addf %add3A_273, %mul3A_277 : vector<400x32xf32>
    %slice3A_279 = vector.extract_strided_slice %div3A_259 {offsets = [0, 4], sizes = [400, 1], strides = [1, 1]} : vector<400x8xf32> to vector<400x1xf32>
    %slice3A_280 = vector.extract_strided_slice %add3A_95 {offsets = [0, 128], sizes = [400, 32], strides = [1, 1]} : vector<400x256xf32> to vector<400x32xf32>
    %mul3A_281 = vector.broadcast %slice3A_279 : vector<400x1xf32> to vector<400x32xf32>
    %mul3A_282 = arith.mulf %mul3A_281, %slice3A_280 : vector<400x32xf32>
    %add3A_283 = arith.addf %add3A_278, %mul3A_282 : vector<400x32xf32>
    %slice3A_284 = vector.extract_strided_slice %div3A_259 {offsets = [0, 5], sizes = [400, 1], strides = [1, 1]} : vector<400x8xf32> to vector<400x1xf32>
    %slice3A_285 = vector.extract_strided_slice %add3A_95 {offsets = [0, 160], sizes = [400, 32], strides = [1, 1]} : vector<400x256xf32> to vector<400x32xf32>
    %mul3A_286 = vector.broadcast %slice3A_284 : vector<400x1xf32> to vector<400x32xf32>
    %mul3A_287 = arith.mulf %mul3A_286, %slice3A_285 : vector<400x32xf32>
    %add3A_288 = arith.addf %add3A_283, %mul3A_287 : vector<400x32xf32>
    %slice3A_289 = vector.extract_strided_slice %div3A_259 {offsets = [0, 6], sizes = [400, 1], strides = [1, 1]} : vector<400x8xf32> to vector<400x1xf32>
    %slice3A_290 = vector.extract_strided_slice %add3A_95 {offsets = [0, 192], sizes = [400, 32], strides = [1, 1]} : vector<400x256xf32> to vector<400x32xf32>
    %mul3A_291 = vector.broadcast %slice3A_289 : vector<400x1xf32> to vector<400x32xf32>
    %mul3A_292 = arith.mulf %mul3A_291, %slice3A_290 : vector<400x32xf32>
    %add3A_293 = arith.addf %add3A_288, %mul3A_292 : vector<400x32xf32>
    %slice3A_294 = vector.extract_strided_slice %div3A_259 {offsets = [0, 7], sizes = [400, 1], strides = [1, 1]} : vector<400x8xf32> to vector<400x1xf32>
    %slice3A_295 = vector.extract_strided_slice %add3A_95 {offsets = [0, 224], sizes = [400, 32], strides = [1, 1]} : vector<400x256xf32> to vector<400x32xf32>
    %mul3A_296 = vector.broadcast %slice3A_294 : vector<400x1xf32> to vector<400x32xf32>
    %mul3A_297 = arith.mulf %mul3A_296, %slice3A_295 : vector<400x32xf32>
    %add3A_298 = arith.addf %add3A_293, %mul3A_297 : vector<400x32xf32>
    %slice3A_299 = vector.extract_strided_slice %add3A_63 {offsets = [0, 96], sizes = [400, 32], strides = [1, 1]} : vector<400x256xf32> to vector<400x32xf32>
    %concatenate3A_300 = tpu.concatenate %slice3A_299, %slice3A_299, %slice3A_299, %slice3A_299, %slice3A_299, %slice3A_299, %slice3A_299, %slice3A_299 in 1 : vector<400x32xf32>, vector<400x32xf32>, vector<400x32xf32>, vector<400x32xf32>, vector<400x32xf32>, vector<400x32xf32>, vector<400x32xf32>, vector<400x32xf32> -> vector<400x256xf32>
    %mul3A_301 = arith.mulf %add3A_79, %concatenate3A_300 : vector<400x256xf32>
    %dot_general3A_302 = arith.constant dense<0.000000e+00> : vector<400x8xf32>
    %dot_general3A_303 = tpu.matmul %mul3A_301, %convert_element_type3A_129, %dot_general3A_302 {dimension_numbers = #tpu.dot_dimension_numbers<[1], [0], [0], [1], [0, 0, 1, 1], [], []>, transpose_lhs_hint = false} : vector<400x256xf32>, vector<256x8xf32>, vector<400x8xf32> -> vector<400x8xf32>
    %mul3A_304 = arith.constant 0.176776692 : f32
    %mul3A_305 = vector.broadcast %mul3A_304 : f32 to vector<400x8xf32>
    %mul3A_306 = arith.mulf %dot_general3A_303, %mul3A_305 : vector<400x8xf32>
    %reduce_max3A_307 = arith.constant dense<0xFF800000> : vector<400xf32>
    %reduce_max3A_308 = vector.multi_reduction <maximumf>, %mul3A_306, %reduce_max3A_307 [1] : vector<400x8xf32> to vector<400xf32>
    %broadcast_in_dim3A_309 = vector.shape_cast %reduce_max3A_308 : vector<400xf32> to vector<400x1xf32>
    %sub3A_310 = vector.broadcast %broadcast_in_dim3A_309 : vector<400x1xf32> to vector<400x8xf32>
    %sub3A_311 = arith.subf %mul3A_306, %sub3A_310 : vector<400x8xf32>
    %exp3A_312 = math.exp %sub3A_311 : vector<400x8xf32>
    %reduce_sum3A_313 = arith.constant dense<0.000000e+00> : vector<400xf32>
    %reduce_sum3A_314 = vector.multi_reduction <add>, %exp3A_312, %reduce_sum3A_313 [1] : vector<400x8xf32> to vector<400xf32>
    %broadcast_in_dim3A_315 = vector.shape_cast %reduce_sum3A_314 : vector<400xf32> to vector<400x1xf32>
    %div3A_316 = vector.broadcast %broadcast_in_dim3A_315 : vector<400x1xf32> to vector<400x8xf32>
    %div3A_317 = arith.divf %exp3A_312, %div3A_316 : vector<400x8xf32>
    %slice3A_318 = vector.extract_strided_slice %div3A_317 {offsets = [0, 0], sizes = [400, 1], strides = [1, 1]} : vector<400x8xf32> to vector<400x1xf32>
    %slice3A_319 = vector.extract_strided_slice %add3A_95 {offsets = [0, 0], sizes = [400, 32], strides = [1, 1]} : vector<400x256xf32> to vector<400x32xf32>
    %mul3A_320 = vector.broadcast %slice3A_318 : vector<400x1xf32> to vector<400x32xf32>
    %mul3A_321 = arith.mulf %mul3A_320, %slice3A_319 : vector<400x32xf32>
    %slice3A_322 = vector.extract_strided_slice %div3A_317 {offsets = [0, 1], sizes = [400, 1], strides = [1, 1]} : vector<400x8xf32> to vector<400x1xf32>
    %slice3A_323 = vector.extract_strided_slice %add3A_95 {offsets = [0, 32], sizes = [400, 32], strides = [1, 1]} : vector<400x256xf32> to vector<400x32xf32>
    %mul3A_324 = vector.broadcast %slice3A_322 : vector<400x1xf32> to vector<400x32xf32>
    %mul3A_325 = arith.mulf %mul3A_324, %slice3A_323 : vector<400x32xf32>
    %add3A_326 = arith.addf %mul3A_321, %mul3A_325 : vector<400x32xf32>
    %slice3A_327 = vector.extract_strided_slice %div3A_317 {offsets = [0, 2], sizes = [400, 1], strides = [1, 1]} : vector<400x8xf32> to vector<400x1xf32>
    %slice3A_328 = vector.extract_strided_slice %add3A_95 {offsets = [0, 64], sizes = [400, 32], strides = [1, 1]} : vector<400x256xf32> to vector<400x32xf32>
    %mul3A_329 = vector.broadcast %slice3A_327 : vector<400x1xf32> to vector<400x32xf32>
    %mul3A_330 = arith.mulf %mul3A_329, %slice3A_328 : vector<400x32xf32>
    %add3A_331 = arith.addf %add3A_326, %mul3A_330 : vector<400x32xf32>
    %slice3A_332 = vector.extract_strided_slice %div3A_317 {offsets = [0, 3], sizes = [400, 1], strides = [1, 1]} : vector<400x8xf32> to vector<400x1xf32>
    %slice3A_333 = vector.extract_strided_slice %add3A_95 {offsets = [0, 96], sizes = [400, 32], strides = [1, 1]} : vector<400x256xf32> to vector<400x32xf32>
    %mul3A_334 = vector.broadcast %slice3A_332 : vector<400x1xf32> to vector<400x32xf32>
    %mul3A_335 = arith.mulf %mul3A_334, %slice3A_333 : vector<400x32xf32>
    %add3A_336 = arith.addf %add3A_331, %mul3A_335 : vector<400x32xf32>
    %slice3A_337 = vector.extract_strided_slice %div3A_317 {offsets = [0, 4], sizes = [400, 1], strides = [1, 1]} : vector<400x8xf32> to vector<400x1xf32>
    %slice3A_338 = vector.extract_strided_slice %add3A_95 {offsets = [0, 128], sizes = [400, 32], strides = [1, 1]} : vector<400x256xf32> to vector<400x32xf32>
    %mul3A_339 = vector.broadcast %slice3A_337 : vector<400x1xf32> to vector<400x32xf32>
    %mul3A_340 = arith.mulf %mul3A_339, %slice3A_338 : vector<400x32xf32>
    %add3A_341 = arith.addf %add3A_336, %mul3A_340 : vector<400x32xf32>
    %slice3A_342 = vector.extract_strided_slice %div3A_317 {offsets = [0, 5], sizes = [400, 1], strides = [1, 1]} : vector<400x8xf32> to vector<400x1xf32>
    %slice3A_343 = vector.extract_strided_slice %add3A_95 {offsets = [0, 160], sizes = [400, 32], strides = [1, 1]} : vector<400x256xf32> to vector<400x32xf32>
    %mul3A_344 = vector.broadcast %slice3A_342 : vector<400x1xf32> to vector<400x32xf32>
    %mul3A_345 = arith.mulf %mul3A_344, %slice3A_343 : vector<400x32xf32>
    %add3A_346 = arith.addf %add3A_341, %mul3A_345 : vector<400x32xf32>
    %slice3A_347 = vector.extract_strided_slice %div3A_317 {offsets = [0, 6], sizes = [400, 1], strides = [1, 1]} : vector<400x8xf32> to vector<400x1xf32>
    %slice3A_348 = vector.extract_strided_slice %add3A_95 {offsets = [0, 192], sizes = [400, 32], strides = [1, 1]} : vector<400x256xf32> to vector<400x32xf32>
    %mul3A_349 = vector.broadcast %slice3A_347 : vector<400x1xf32> to vector<400x32xf32>
    %mul3A_350 = arith.mulf %mul3A_349, %slice3A_348 : vector<400x32xf32>
    %add3A_351 = arith.addf %add3A_346, %mul3A_350 : vector<400x32xf32>
    %slice3A_352 = vector.extract_strided_slice %div3A_317 {offsets = [0, 7], sizes = [400, 1], strides = [1, 1]} : vector<400x8xf32> to vector<400x1xf32>
    %slice3A_353 = vector.extract_strided_slice %add3A_95 {offsets = [0, 224], sizes = [400, 32], strides = [1, 1]} : vector<400x256xf32> to vector<400x32xf32>
    %mul3A_354 = vector.broadcast %slice3A_352 : vector<400x1xf32> to vector<400x32xf32>
    %mul3A_355 = arith.mulf %mul3A_354, %slice3A_353 : vector<400x32xf32>
    %add3A_356 = arith.addf %add3A_351, %mul3A_355 : vector<400x32xf32>
    %slice3A_357 = vector.extract_strided_slice %add3A_63 {offsets = [0, 128], sizes = [400, 32], strides = [1, 1]} : vector<400x256xf32> to vector<400x32xf32>
    %concatenate3A_358 = tpu.concatenate %slice3A_357, %slice3A_357, %slice3A_357, %slice3A_357, %slice3A_357, %slice3A_357, %slice3A_357, %slice3A_357 in 1 : vector<400x32xf32>, vector<400x32xf32>, vector<400x32xf32>, vector<400x32xf32>, vector<400x32xf32>, vector<400x32xf32>, vector<400x32xf32>, vector<400x32xf32> -> vector<400x256xf32>
    %mul3A_359 = arith.mulf %add3A_79, %concatenate3A_358 : vector<400x256xf32>
    %dot_general3A_360 = arith.constant dense<0.000000e+00> : vector<400x8xf32>
    %dot_general3A_361 = tpu.matmul %mul3A_359, %convert_element_type3A_129, %dot_general3A_360 {dimension_numbers = #tpu.dot_dimension_numbers<[1], [0], [0], [1], [0, 0, 1, 1], [], []>, transpose_lhs_hint = false} : vector<400x256xf32>, vector<256x8xf32>, vector<400x8xf32> -> vector<400x8xf32>
    %mul3A_362 = arith.constant 0.176776692 : f32
    %mul3A_363 = vector.broadcast %mul3A_362 : f32 to vector<400x8xf32>
    %mul3A_364 = arith.mulf %dot_general3A_361, %mul3A_363 : vector<400x8xf32>
    %reduce_max3A_365 = arith.constant dense<0xFF800000> : vector<400xf32>
    %reduce_max3A_366 = vector.multi_reduction <maximumf>, %mul3A_364, %reduce_max3A_365 [1] : vector<400x8xf32> to vector<400xf32>
    %broadcast_in_dim3A_367 = vector.shape_cast %reduce_max3A_366 : vector<400xf32> to vector<400x1xf32>
    %sub3A_368 = vector.broadcast %broadcast_in_dim3A_367 : vector<400x1xf32> to vector<400x8xf32>
    %sub3A_369 = arith.subf %mul3A_364, %sub3A_368 : vector<400x8xf32>
    %exp3A_370 = math.exp %sub3A_369 : vector<400x8xf32>
    %reduce_sum3A_371 = arith.constant dense<0.000000e+00> : vector<400xf32>
    %reduce_sum3A_372 = vector.multi_reduction <add>, %exp3A_370, %reduce_sum3A_371 [1] : vector<400x8xf32> to vector<400xf32>
    %broadcast_in_dim3A_373 = vector.shape_cast %reduce_sum3A_372 : vector<400xf32> to vector<400x1xf32>
    %div3A_374 = vector.broadcast %broadcast_in_dim3A_373 : vector<400x1xf32> to vector<400x8xf32>
    %div3A_375 = arith.divf %exp3A_370, %div3A_374 : vector<400x8xf32>
    %slice3A_376 = vector.extract_strided_slice %div3A_375 {offsets = [0, 0], sizes = [400, 1], strides = [1, 1]} : vector<400x8xf32> to vector<400x1xf32>
    %slice3A_377 = vector.extract_strided_slice %add3A_95 {offsets = [0, 0], sizes = [400, 32], strides = [1, 1]} : vector<400x256xf32> to vector<400x32xf32>
    %mul3A_378 = vector.broadcast %slice3A_376 : vector<400x1xf32> to vector<400x32xf32>
    %mul3A_379 = arith.mulf %mul3A_378, %slice3A_377 : vector<400x32xf32>
    %slice3A_380 = vector.extract_strided_slice %div3A_375 {offsets = [0, 1], sizes = [400, 1], strides = [1, 1]} : vector<400x8xf32> to vector<400x1xf32>
    %slice3A_381 = vector.extract_strided_slice %add3A_95 {offsets = [0, 32], sizes = [400, 32], strides = [1, 1]} : vector<400x256xf32> to vector<400x32xf32>
    %mul3A_382 = vector.broadcast %slice3A_380 : vector<400x1xf32> to vector<400x32xf32>
    %mul3A_383 = arith.mulf %mul3A_382, %slice3A_381 : vector<400x32xf32>
    %add3A_384 = arith.addf %mul3A_379, %mul3A_383 : vector<400x32xf32>
    %slice3A_385 = vector.extract_strided_slice %div3A_375 {offsets = [0, 2], sizes = [400, 1], strides = [1, 1]} : vector<400x8xf32> to vector<400x1xf32>
    %slice3A_386 = vector.extract_strided_slice %add3A_95 {offsets = [0, 64], sizes = [400, 32], strides = [1, 1]} : vector<400x256xf32> to vector<400x32xf32>
    %mul3A_387 = vector.broadcast %slice3A_385 : vector<400x1xf32> to vector<400x32xf32>
    %mul3A_388 = arith.mulf %mul3A_387, %slice3A_386 : vector<400x32xf32>
    %add3A_389 = arith.addf %add3A_384, %mul3A_388 : vector<400x32xf32>
    %slice3A_390 = vector.extract_strided_slice %div3A_375 {offsets = [0, 3], sizes = [400, 1], strides = [1, 1]} : vector<400x8xf32> to vector<400x1xf32>
    %slice3A_391 = vector.extract_strided_slice %add3A_95 {offsets = [0, 96], sizes = [400, 32], strides = [1, 1]} : vector<400x256xf32> to vector<400x32xf32>
    %mul3A_392 = vector.broadcast %slice3A_390 : vector<400x1xf32> to vector<400x32xf32>
    %mul3A_393 = arith.mulf %mul3A_392, %slice3A_391 : vector<400x32xf32>
    %add3A_394 = arith.addf %add3A_389, %mul3A_393 : vector<400x32xf32>
    %slice3A_395 = vector.extract_strided_slice %div3A_375 {offsets = [0, 4], sizes = [400, 1], strides = [1, 1]} : vector<400x8xf32> to vector<400x1xf32>
    %slice3A_396 = vector.extract_strided_slice %add3A_95 {offsets = [0, 128], sizes = [400, 32], strides = [1, 1]} : vector<400x256xf32> to vector<400x32xf32>
    %mul3A_397 = vector.broadcast %slice3A_395 : vector<400x1xf32> to vector<400x32xf32>
    %mul3A_398 = arith.mulf %mul3A_397, %slice3A_396 : vector<400x32xf32>
    %add3A_399 = arith.addf %add3A_394, %mul3A_398 : vector<400x32xf32>
    %slice3A_400 = vector.extract_strided_slice %div3A_375 {offsets = [0, 5], sizes = [400, 1], strides = [1, 1]} : vector<400x8xf32> to vector<400x1xf32>
    %slice3A_401 = vector.extract_strided_slice %add3A_95 {offsets = [0, 160], sizes = [400, 32], strides = [1, 1]} : vector<400x256xf32> to vector<400x32xf32>
    %mul3A_402 = vector.broadcast %slice3A_400 : vector<400x1xf32> to vector<400x32xf32>
    %mul3A_403 = arith.mulf %mul3A_402, %slice3A_401 : vector<400x32xf32>
    %add3A_404 = arith.addf %add3A_399, %mul3A_403 : vector<400x32xf32>
    %slice3A_405 = vector.extract_strided_slice %div3A_375 {offsets = [0, 6], sizes = [400, 1], strides = [1, 1]} : vector<400x8xf32> to vector<400x1xf32>
    %slice3A_406 = vector.extract_strided_slice %add3A_95 {offsets = [0, 192], sizes = [400, 32], strides = [1, 1]} : vector<400x256xf32> to vector<400x32xf32>
    %mul3A_407 = vector.broadcast %slice3A_405 : vector<400x1xf32> to vector<400x32xf32>
    %mul3A_408 = arith.mulf %mul3A_407, %slice3A_406 : vector<400x32xf32>
    %add3A_409 = arith.addf %add3A_404, %mul3A_408 : vector<400x32xf32>
    %slice3A_410 = vector.extract_strided_slice %div3A_375 {offsets = [0, 7], sizes = [400, 1], strides = [1, 1]} : vector<400x8xf32> to vector<400x1xf32>
    %slice3A_411 = vector.extract_strided_slice %add3A_95 {offsets = [0, 224], sizes = [400, 32], strides = [1, 1]} : vector<400x256xf32> to vector<400x32xf32>
    %mul3A_412 = vector.broadcast %slice3A_410 : vector<400x1xf32> to vector<400x32xf32>
    %mul3A_413 = arith.mulf %mul3A_412, %slice3A_411 : vector<400x32xf32>
    %add3A_414 = arith.addf %add3A_409, %mul3A_413 : vector<400x32xf32>
    %slice3A_415 = vector.extract_strided_slice %add3A_63 {offsets = [0, 160], sizes = [400, 32], strides = [1, 1]} : vector<400x256xf32> to vector<400x32xf32>
    %concatenate3A_416 = tpu.concatenate %slice3A_415, %slice3A_415, %slice3A_415, %slice3A_415, %slice3A_415, %slice3A_415, %slice3A_415, %slice3A_415 in 1 : vector<400x32xf32>, vector<400x32xf32>, vector<400x32xf32>, vector<400x32xf32>, vector<400x32xf32>, vector<400x32xf32>, vector<400x32xf32>, vector<400x32xf32> -> vector<400x256xf32>
    %mul3A_417 = arith.mulf %add3A_79, %concatenate3A_416 : vector<400x256xf32>
    %dot_general3A_418 = arith.constant dense<0.000000e+00> : vector<400x8xf32>
    %dot_general3A_419 = tpu.matmul %mul3A_417, %convert_element_type3A_129, %dot_general3A_418 {dimension_numbers = #tpu.dot_dimension_numbers<[1], [0], [0], [1], [0, 0, 1, 1], [], []>, transpose_lhs_hint = false} : vector<400x256xf32>, vector<256x8xf32>, vector<400x8xf32> -> vector<400x8xf32>
    %mul3A_420 = arith.constant 0.176776692 : f32
    %mul3A_421 = vector.broadcast %mul3A_420 : f32 to vector<400x8xf32>
    %mul3A_422 = arith.mulf %dot_general3A_419, %mul3A_421 : vector<400x8xf32>
    %reduce_max3A_423 = arith.constant dense<0xFF800000> : vector<400xf32>
    %reduce_max3A_424 = vector.multi_reduction <maximumf>, %mul3A_422, %reduce_max3A_423 [1] : vector<400x8xf32> to vector<400xf32>
    %broadcast_in_dim3A_425 = vector.shape_cast %reduce_max3A_424 : vector<400xf32> to vector<400x1xf32>
    %sub3A_426 = vector.broadcast %broadcast_in_dim3A_425 : vector<400x1xf32> to vector<400x8xf32>
    %sub3A_427 = arith.subf %mul3A_422, %sub3A_426 : vector<400x8xf32>
    %exp3A_428 = math.exp %sub3A_427 : vector<400x8xf32>
    %reduce_sum3A_429 = arith.constant dense<0.000000e+00> : vector<400xf32>
    %reduce_sum3A_430 = vector.multi_reduction <add>, %exp3A_428, %reduce_sum3A_429 [1] : vector<400x8xf32> to vector<400xf32>
    %broadcast_in_dim3A_431 = vector.shape_cast %reduce_sum3A_430 : vector<400xf32> to vector<400x1xf32>
    %div3A_432 = vector.broadcast %broadcast_in_dim3A_431 : vector<400x1xf32> to vector<400x8xf32>
    %div3A_433 = arith.divf %exp3A_428, %div3A_432 : vector<400x8xf32>
    %slice3A_434 = vector.extract_strided_slice %div3A_433 {offsets = [0, 0], sizes = [400, 1], strides = [1, 1]} : vector<400x8xf32> to vector<400x1xf32>
    %slice3A_435 = vector.extract_strided_slice %add3A_95 {offsets = [0, 0], sizes = [400, 32], strides = [1, 1]} : vector<400x256xf32> to vector<400x32xf32>
    %mul3A_436 = vector.broadcast %slice3A_434 : vector<400x1xf32> to vector<400x32xf32>
    %mul3A_437 = arith.mulf %mul3A_436, %slice3A_435 : vector<400x32xf32>
    %slice3A_438 = vector.extract_strided_slice %div3A_433 {offsets = [0, 1], sizes = [400, 1], strides = [1, 1]} : vector<400x8xf32> to vector<400x1xf32>
    %slice3A_439 = vector.extract_strided_slice %add3A_95 {offsets = [0, 32], sizes = [400, 32], strides = [1, 1]} : vector<400x256xf32> to vector<400x32xf32>
    %mul3A_440 = vector.broadcast %slice3A_438 : vector<400x1xf32> to vector<400x32xf32>
    %mul3A_441 = arith.mulf %mul3A_440, %slice3A_439 : vector<400x32xf32>
    %add3A_442 = arith.addf %mul3A_437, %mul3A_441 : vector<400x32xf32>
    %slice3A_443 = vector.extract_strided_slice %div3A_433 {offsets = [0, 2], sizes = [400, 1], strides = [1, 1]} : vector<400x8xf32> to vector<400x1xf32>
    %slice3A_444 = vector.extract_strided_slice %add3A_95 {offsets = [0, 64], sizes = [400, 32], strides = [1, 1]} : vector<400x256xf32> to vector<400x32xf32>
    %mul3A_445 = vector.broadcast %slice3A_443 : vector<400x1xf32> to vector<400x32xf32>
    %mul3A_446 = arith.mulf %mul3A_445, %slice3A_444 : vector<400x32xf32>
    %add3A_447 = arith.addf %add3A_442, %mul3A_446 : vector<400x32xf32>
    %slice3A_448 = vector.extract_strided_slice %div3A_433 {offsets = [0, 3], sizes = [400, 1], strides = [1, 1]} : vector<400x8xf32> to vector<400x1xf32>
    %slice3A_449 = vector.extract_strided_slice %add3A_95 {offsets = [0, 96], sizes = [400, 32], strides = [1, 1]} : vector<400x256xf32> to vector<400x32xf32>
    %mul3A_450 = vector.broadcast %slice3A_448 : vector<400x1xf32> to vector<400x32xf32>
    %mul3A_451 = arith.mulf %mul3A_450, %slice3A_449 : vector<400x32xf32>
    %add3A_452 = arith.addf %add3A_447, %mul3A_451 : vector<400x32xf32>
    %slice3A_453 = vector.extract_strided_slice %div3A_433 {offsets = [0, 4], sizes = [400, 1], strides = [1, 1]} : vector<400x8xf32> to vector<400x1xf32>
    %slice3A_454 = vector.extract_strided_slice %add3A_95 {offsets = [0, 128], sizes = [400, 32], strides = [1, 1]} : vector<400x256xf32> to vector<400x32xf32>
    %mul3A_455 = vector.broadcast %slice3A_453 : vector<400x1xf32> to vector<400x32xf32>
    %mul3A_456 = arith.mulf %mul3A_455, %slice3A_454 : vector<400x32xf32>
    %add3A_457 = arith.addf %add3A_452, %mul3A_456 : vector<400x32xf32>
    %slice3A_458 = vector.extract_strided_slice %div3A_433 {offsets = [0, 5], sizes = [400, 1], strides = [1, 1]} : vector<400x8xf32> to vector<400x1xf32>
    %slice3A_459 = vector.extract_strided_slice %add3A_95 {offsets = [0, 160], sizes = [400, 32], strides = [1, 1]} : vector<400x256xf32> to vector<400x32xf32>
    %mul3A_460 = vector.broadcast %slice3A_458 : vector<400x1xf32> to vector<400x32xf32>
    %mul3A_461 = arith.mulf %mul3A_460, %slice3A_459 : vector<400x32xf32>
    %add3A_462 = arith.addf %add3A_457, %mul3A_461 : vector<400x32xf32>
    %slice3A_463 = vector.extract_strided_slice %div3A_433 {offsets = [0, 6], sizes = [400, 1], strides = [1, 1]} : vector<400x8xf32> to vector<400x1xf32>
    %slice3A_464 = vector.extract_strided_slice %add3A_95 {offsets = [0, 192], sizes = [400, 32], strides = [1, 1]} : vector<400x256xf32> to vector<400x32xf32>
    %mul3A_465 = vector.broadcast %slice3A_463 : vector<400x1xf32> to vector<400x32xf32>
    %mul3A_466 = arith.mulf %mul3A_465, %slice3A_464 : vector<400x32xf32>
    %add3A_467 = arith.addf %add3A_462, %mul3A_466 : vector<400x32xf32>
    %slice3A_468 = vector.extract_strided_slice %div3A_433 {offsets = [0, 7], sizes = [400, 1], strides = [1, 1]} : vector<400x8xf32> to vector<400x1xf32>
    %slice3A_469 = vector.extract_strided_slice %add3A_95 {offsets = [0, 224], sizes = [400, 32], strides = [1, 1]} : vector<400x256xf32> to vector<400x32xf32>
    %mul3A_470 = vector.broadcast %slice3A_468 : vector<400x1xf32> to vector<400x32xf32>
    %mul3A_471 = arith.mulf %mul3A_470, %slice3A_469 : vector<400x32xf32>
    %add3A_472 = arith.addf %add3A_467, %mul3A_471 : vector<400x32xf32>
    %slice3A_473 = vector.extract_strided_slice %add3A_63 {offsets = [0, 192], sizes = [400, 32], strides = [1, 1]} : vector<400x256xf32> to vector<400x32xf32>
    %concatenate3A_474 = tpu.concatenate %slice3A_473, %slice3A_473, %slice3A_473, %slice3A_473, %slice3A_473, %slice3A_473, %slice3A_473, %slice3A_473 in 1 : vector<400x32xf32>, vector<400x32xf32>, vector<400x32xf32>, vector<400x32xf32>, vector<400x32xf32>, vector<400x32xf32>, vector<400x32xf32>, vector<400x32xf32> -> vector<400x256xf32>
    %mul3A_475 = arith.mulf %add3A_79, %concatenate3A_474 : vector<400x256xf32>
    %dot_general3A_476 = arith.constant dense<0.000000e+00> : vector<400x8xf32>
    %dot_general3A_477 = tpu.matmul %mul3A_475, %convert_element_type3A_129, %dot_general3A_476 {dimension_numbers = #tpu.dot_dimension_numbers<[1], [0], [0], [1], [0, 0, 1, 1], [], []>, transpose_lhs_hint = false} : vector<400x256xf32>, vector<256x8xf32>, vector<400x8xf32> -> vector<400x8xf32>
    %mul3A_478 = arith.constant 0.176776692 : f32
    %mul3A_479 = vector.broadcast %mul3A_478 : f32 to vector<400x8xf32>
    %mul3A_480 = arith.mulf %dot_general3A_477, %mul3A_479 : vector<400x8xf32>
    %reduce_max3A_481 = arith.constant dense<0xFF800000> : vector<400xf32>
    %reduce_max3A_482 = vector.multi_reduction <maximumf>, %mul3A_480, %reduce_max3A_481 [1] : vector<400x8xf32> to vector<400xf32>
    %broadcast_in_dim3A_483 = vector.shape_cast %reduce_max3A_482 : vector<400xf32> to vector<400x1xf32>
    %sub3A_484 = vector.broadcast %broadcast_in_dim3A_483 : vector<400x1xf32> to vector<400x8xf32>
    %sub3A_485 = arith.subf %mul3A_480, %sub3A_484 : vector<400x8xf32>
    %exp3A_486 = math.exp %sub3A_485 : vector<400x8xf32>
    %reduce_sum3A_487 = arith.constant dense<0.000000e+00> : vector<400xf32>
    %reduce_sum3A_488 = vector.multi_reduction <add>, %exp3A_486, %reduce_sum3A_487 [1] : vector<400x8xf32> to vector<400xf32>
    %broadcast_in_dim3A_489 = vector.shape_cast %reduce_sum3A_488 : vector<400xf32> to vector<400x1xf32>
    %div3A_490 = vector.broadcast %broadcast_in_dim3A_489 : vector<400x1xf32> to vector<400x8xf32>
    %div3A_491 = arith.divf %exp3A_486, %div3A_490 : vector<400x8xf32>
    %slice3A_492 = vector.extract_strided_slice %div3A_491 {offsets = [0, 0], sizes = [400, 1], strides = [1, 1]} : vector<400x8xf32> to vector<400x1xf32>
    %slice3A_493 = vector.extract_strided_slice %add3A_95 {offsets = [0, 0], sizes = [400, 32], strides = [1, 1]} : vector<400x256xf32> to vector<400x32xf32>
    %mul3A_494 = vector.broadcast %slice3A_492 : vector<400x1xf32> to vector<400x32xf32>
    %mul3A_495 = arith.mulf %mul3A_494, %slice3A_493 : vector<400x32xf32>
    %slice3A_496 = vector.extract_strided_slice %div3A_491 {offsets = [0, 1], sizes = [400, 1], strides = [1, 1]} : vector<400x8xf32> to vector<400x1xf32>
    %slice3A_497 = vector.extract_strided_slice %add3A_95 {offsets = [0, 32], sizes = [400, 32], strides = [1, 1]} : vector<400x256xf32> to vector<400x32xf32>
    %mul3A_498 = vector.broadcast %slice3A_496 : vector<400x1xf32> to vector<400x32xf32>
    %mul3A_499 = arith.mulf %mul3A_498, %slice3A_497 : vector<400x32xf32>
    %add3A_500 = arith.addf %mul3A_495, %mul3A_499 : vector<400x32xf32>
    %slice3A_501 = vector.extract_strided_slice %div3A_491 {offsets = [0, 2], sizes = [400, 1], strides = [1, 1]} : vector<400x8xf32> to vector<400x1xf32>
    %slice3A_502 = vector.extract_strided_slice %add3A_95 {offsets = [0, 64], sizes = [400, 32], strides = [1, 1]} : vector<400x256xf32> to vector<400x32xf32>
    %mul3A_503 = vector.broadcast %slice3A_501 : vector<400x1xf32> to vector<400x32xf32>
    %mul3A_504 = arith.mulf %mul3A_503, %slice3A_502 : vector<400x32xf32>
    %add3A_505 = arith.addf %add3A_500, %mul3A_504 : vector<400x32xf32>
    %slice3A_506 = vector.extract_strided_slice %div3A_491 {offsets = [0, 3], sizes = [400, 1], strides = [1, 1]} : vector<400x8xf32> to vector<400x1xf32>
    %slice3A_507 = vector.extract_strided_slice %add3A_95 {offsets = [0, 96], sizes = [400, 32], strides = [1, 1]} : vector<400x256xf32> to vector<400x32xf32>
    %mul3A_508 = vector.broadcast %slice3A_506 : vector<400x1xf32> to vector<400x32xf32>
    %mul3A_509 = arith.mulf %mul3A_508, %slice3A_507 : vector<400x32xf32>
    %add3A_510 = arith.addf %add3A_505, %mul3A_509 : vector<400x32xf32>
    %slice3A_511 = vector.extract_strided_slice %div3A_491 {offsets = [0, 4], sizes = [400, 1], strides = [1, 1]} : vector<400x8xf32> to vector<400x1xf32>
    %slice3A_512 = vector.extract_strided_slice %add3A_95 {offsets = [0, 128], sizes = [400, 32], strides = [1, 1]} : vector<400x256xf32> to vector<400x32xf32>
    %mul3A_513 = vector.broadcast %slice3A_511 : vector<400x1xf32> to vector<400x32xf32>
    %mul3A_514 = arith.mulf %mul3A_513, %slice3A_512 : vector<400x32xf32>
    %add3A_515 = arith.addf %add3A_510, %mul3A_514 : vector<400x32xf32>
    %slice3A_516 = vector.extract_strided_slice %div3A_491 {offsets = [0, 5], sizes = [400, 1], strides = [1, 1]} : vector<400x8xf32> to vector<400x1xf32>
    %slice3A_517 = vector.extract_strided_slice %add3A_95 {offsets = [0, 160], sizes = [400, 32], strides = [1, 1]} : vector<400x256xf32> to vector<400x32xf32>
    %mul3A_518 = vector.broadcast %slice3A_516 : vector<400x1xf32> to vector<400x32xf32>
    %mul3A_519 = arith.mulf %mul3A_518, %slice3A_517 : vector<400x32xf32>
    %add3A_520 = arith.addf %add3A_515, %mul3A_519 : vector<400x32xf32>
    %slice3A_521 = vector.extract_strided_slice %div3A_491 {offsets = [0, 6], sizes = [400, 1], strides = [1, 1]} : vector<400x8xf32> to vector<400x1xf32>
    %slice3A_522 = vector.extract_strided_slice %add3A_95 {offsets = [0, 192], sizes = [400, 32], strides = [1, 1]} : vector<400x256xf32> to vector<400x32xf32>
    %mul3A_523 = vector.broadcast %slice3A_521 : vector<400x1xf32> to vector<400x32xf32>
    %mul3A_524 = arith.mulf %mul3A_523, %slice3A_522 : vector<400x32xf32>
    %add3A_525 = arith.addf %add3A_520, %mul3A_524 : vector<400x32xf32>
    %slice3A_526 = vector.extract_strided_slice %div3A_491 {offsets = [0, 7], sizes = [400, 1], strides = [1, 1]} : vector<400x8xf32> to vector<400x1xf32>
    %slice3A_527 = vector.extract_strided_slice %add3A_95 {offsets = [0, 224], sizes = [400, 32], strides = [1, 1]} : vector<400x256xf32> to vector<400x32xf32>
    %mul3A_528 = vector.broadcast %slice3A_526 : vector<400x1xf32> to vector<400x32xf32>
    %mul3A_529 = arith.mulf %mul3A_528, %slice3A_527 : vector<400x32xf32>
    %add3A_530 = arith.addf %add3A_525, %mul3A_529 : vector<400x32xf32>
    %slice3A_531 = vector.extract_strided_slice %add3A_63 {offsets = [0, 224], sizes = [400, 32], strides = [1, 1]} : vector<400x256xf32> to vector<400x32xf32>
    %concatenate3A_532 = tpu.concatenate %slice3A_531, %slice3A_531, %slice3A_531, %slice3A_531, %slice3A_531, %slice3A_531, %slice3A_531, %slice3A_531 in 1 : vector<400x32xf32>, vector<400x32xf32>, vector<400x32xf32>, vector<400x32xf32>, vector<400x32xf32>, vector<400x32xf32>, vector<400x32xf32>, vector<400x32xf32> -> vector<400x256xf32>
    %mul3A_533 = arith.mulf %add3A_79, %concatenate3A_532 : vector<400x256xf32>
    %dot_general3A_534 = arith.constant dense<0.000000e+00> : vector<400x8xf32>
    %dot_general3A_535 = tpu.matmul %mul3A_533, %convert_element_type3A_129, %dot_general3A_534 {dimension_numbers = #tpu.dot_dimension_numbers<[1], [0], [0], [1], [0, 0, 1, 1], [], []>, transpose_lhs_hint = false} : vector<400x256xf32>, vector<256x8xf32>, vector<400x8xf32> -> vector<400x8xf32>
    %mul3A_536 = arith.constant 0.176776692 : f32
    %mul3A_537 = vector.broadcast %mul3A_536 : f32 to vector<400x8xf32>
    %mul3A_538 = arith.mulf %dot_general3A_535, %mul3A_537 : vector<400x8xf32>
    %reduce_max3A_539 = arith.constant dense<0xFF800000> : vector<400xf32>
    %reduce_max3A_540 = vector.multi_reduction <maximumf>, %mul3A_538, %reduce_max3A_539 [1] : vector<400x8xf32> to vector<400xf32>
    %broadcast_in_dim3A_541 = vector.shape_cast %reduce_max3A_540 : vector<400xf32> to vector<400x1xf32>
    %sub3A_542 = vector.broadcast %broadcast_in_dim3A_541 : vector<400x1xf32> to vector<400x8xf32>
    %sub3A_543 = arith.subf %mul3A_538, %sub3A_542 : vector<400x8xf32>
    %exp3A_544 = math.exp %sub3A_543 : vector<400x8xf32>
    %reduce_sum3A_545 = arith.constant dense<0.000000e+00> : vector<400xf32>
    %reduce_sum3A_546 = vector.multi_reduction <add>, %exp3A_544, %reduce_sum3A_545 [1] : vector<400x8xf32> to vector<400xf32>
    %broadcast_in_dim3A_547 = vector.shape_cast %reduce_sum3A_546 : vector<400xf32> to vector<400x1xf32>
    %div3A_548 = vector.broadcast %broadcast_in_dim3A_547 : vector<400x1xf32> to vector<400x8xf32>
    %div3A_549 = arith.divf %exp3A_544, %div3A_548 : vector<400x8xf32>
    %slice3A_550 = vector.extract_strided_slice %div3A_549 {offsets = [0, 0], sizes = [400, 1], strides = [1, 1]} : vector<400x8xf32> to vector<400x1xf32>
    %slice3A_551 = vector.extract_strided_slice %add3A_95 {offsets = [0, 0], sizes = [400, 32], strides = [1, 1]} : vector<400x256xf32> to vector<400x32xf32>
    %mul3A_552 = vector.broadcast %slice3A_550 : vector<400x1xf32> to vector<400x32xf32>
    %mul3A_553 = arith.mulf %mul3A_552, %slice3A_551 : vector<400x32xf32>
    %slice3A_554 = vector.extract_strided_slice %div3A_549 {offsets = [0, 1], sizes = [400, 1], strides = [1, 1]} : vector<400x8xf32> to vector<400x1xf32>
    %slice3A_555 = vector.extract_strided_slice %add3A_95 {offsets = [0, 32], sizes = [400, 32], strides = [1, 1]} : vector<400x256xf32> to vector<400x32xf32>
    %mul3A_556 = vector.broadcast %slice3A_554 : vector<400x1xf32> to vector<400x32xf32>
    %mul3A_557 = arith.mulf %mul3A_556, %slice3A_555 : vector<400x32xf32>
    %add3A_558 = arith.addf %mul3A_553, %mul3A_557 : vector<400x32xf32>
    %slice3A_559 = vector.extract_strided_slice %div3A_549 {offsets = [0, 2], sizes = [400, 1], strides = [1, 1]} : vector<400x8xf32> to vector<400x1xf32>
    %slice3A_560 = vector.extract_strided_slice %add3A_95 {offsets = [0, 64], sizes = [400, 32], strides = [1, 1]} : vector<400x256xf32> to vector<400x32xf32>
    %mul3A_561 = vector.broadcast %slice3A_559 : vector<400x1xf32> to vector<400x32xf32>
    %mul3A_562 = arith.mulf %mul3A_561, %slice3A_560 : vector<400x32xf32>
    %add3A_563 = arith.addf %add3A_558, %mul3A_562 : vector<400x32xf32>
    %slice3A_564 = vector.extract_strided_slice %div3A_549 {offsets = [0, 3], sizes = [400, 1], strides = [1, 1]} : vector<400x8xf32> to vector<400x1xf32>
    %slice3A_565 = vector.extract_strided_slice %add3A_95 {offsets = [0, 96], sizes = [400, 32], strides = [1, 1]} : vector<400x256xf32> to vector<400x32xf32>
    %mul3A_566 = vector.broadcast %slice3A_564 : vector<400x1xf32> to vector<400x32xf32>
    %mul3A_567 = arith.mulf %mul3A_566, %slice3A_565 : vector<400x32xf32>
    %add3A_568 = arith.addf %add3A_563, %mul3A_567 : vector<400x32xf32>
    %slice3A_569 = vector.extract_strided_slice %div3A_549 {offsets = [0, 4], sizes = [400, 1], strides = [1, 1]} : vector<400x8xf32> to vector<400x1xf32>
    %slice3A_570 = vector.extract_strided_slice %add3A_95 {offsets = [0, 128], sizes = [400, 32], strides = [1, 1]} : vector<400x256xf32> to vector<400x32xf32>
    %mul3A_571 = vector.broadcast %slice3A_569 : vector<400x1xf32> to vector<400x32xf32>
    %mul3A_572 = arith.mulf %mul3A_571, %slice3A_570 : vector<400x32xf32>
    %add3A_573 = arith.addf %add3A_568, %mul3A_572 : vector<400x32xf32>
    %slice3A_574 = vector.extract_strided_slice %div3A_549 {offsets = [0, 5], sizes = [400, 1], strides = [1, 1]} : vector<400x8xf32> to vector<400x1xf32>
    %slice3A_575 = vector.extract_strided_slice %add3A_95 {offsets = [0, 160], sizes = [400, 32], strides = [1, 1]} : vector<400x256xf32> to vector<400x32xf32>
    %mul3A_576 = vector.broadcast %slice3A_574 : vector<400x1xf32> to vector<400x32xf32>
    %mul3A_577 = arith.mulf %mul3A_576, %slice3A_575 : vector<400x32xf32>
    %add3A_578 = arith.addf %add3A_573, %mul3A_577 : vector<400x32xf32>
    %slice3A_579 = vector.extract_strided_slice %div3A_549 {offsets = [0, 6], sizes = [400, 1], strides = [1, 1]} : vector<400x8xf32> to vector<400x1xf32>
    %slice3A_580 = vector.extract_strided_slice %add3A_95 {offsets = [0, 192], sizes = [400, 32], strides = [1, 1]} : vector<400x256xf32> to vector<400x32xf32>
    %mul3A_581 = vector.broadcast %slice3A_579 : vector<400x1xf32> to vector<400x32xf32>
    %mul3A_582 = arith.mulf %mul3A_581, %slice3A_580 : vector<400x32xf32>
    %add3A_583 = arith.addf %add3A_578, %mul3A_582 : vector<400x32xf32>
    %slice3A_584 = vector.extract_strided_slice %div3A_549 {offsets = [0, 7], sizes = [400, 1], strides = [1, 1]} : vector<400x8xf32> to vector<400x1xf32>
    %slice3A_585 = vector.extract_strided_slice %add3A_95 {offsets = [0, 224], sizes = [400, 32], strides = [1, 1]} : vector<400x256xf32> to vector<400x32xf32>
    %mul3A_586 = vector.broadcast %slice3A_584 : vector<400x1xf32> to vector<400x32xf32>
    %mul3A_587 = arith.mulf %mul3A_586, %slice3A_585 : vector<400x32xf32>
    %add3A_588 = arith.addf %add3A_583, %mul3A_587 : vector<400x32xf32>
    %concatenate3A_589 = tpu.concatenate %add3A_182, %add3A_240, %add3A_298, %add3A_356, %add3A_414, %add3A_472, %add3A_530, %add3A_588 in 1 : vector<400x32xf32>, vector<400x32xf32>, vector<400x32xf32>, vector<400x32xf32>, vector<400x32xf32>, vector<400x32xf32>, vector<400x32xf32>, vector<400x32xf32> -> vector<400x256xf32>
    %get3A_590 = arith.constant 0 : index
    %get3A_591 = arith.constant 0 : index
    %get3A_592 = vector.load %arg12[%get3A_590, %get3A_591] : memref<256x256xf32, #tpu.memory_space<vmem>>, vector<256x256xf32>
    %dot_general3A_593 = arith.constant dense<0.000000e+00> : vector<400x256xf32>
    %dot_general3A_594 = tpu.matmul %concatenate3A_589, %get3A_592, %dot_general3A_593 {dimension_numbers = #tpu.dot_dimension_numbers<[1], [0], [0], [1], [0, 0, 1, 1], [], []>, transpose_lhs_hint = false} : vector<400x256xf32>, vector<256x256xf32>, vector<400x256xf32> -> vector<400x256xf32>
    %get3A_595 = arith.constant 0 : index
    %get3A_596 = arith.constant 0 : index
    %get3A_597 = vector.load %arg13[%get3A_595, %get3A_596] : memref<1x256xf32, #tpu.memory_space<vmem>>, vector<1x256xf32>
    %add3A_598 = vector.broadcast %get3A_597 : vector<1x256xf32> to vector<400x256xf32>
    %add3A_599 = arith.addf %dot_general3A_594, %add3A_598 : vector<400x256xf32>
    %add3A_600 = arith.addf %add3A_599, %add3A : vector<400x256xf32>
    %reduce_max3A_601 = arith.constant dense<0xFF800000> : vector<400xf32>
    %reduce_max3A_602 = vector.multi_reduction <maximumf>, %add3A_600, %reduce_max3A_601 [1] : vector<400x256xf32> to vector<400xf32>
    %broadcast_in_dim3A_603 = vector.shape_cast %reduce_max3A_602 : vector<400xf32> to vector<400x1xf32>
    %sub3A_604 = vector.broadcast %broadcast_in_dim3A_603 : vector<400x1xf32> to vector<400x256xf32>
    %sub3A_605 = arith.subf %add3A_600, %sub3A_604 : vector<400x256xf32>
    %exp3A_606 = math.exp %sub3A_605 : vector<400x256xf32>
    %reduce_sum3A_607 = arith.constant dense<0.000000e+00> : vector<400xf32>
    %reduce_sum3A_608 = vector.multi_reduction <add>, %exp3A_606, %reduce_sum3A_607 [1] : vector<400x256xf32> to vector<400xf32>
    %broadcast_in_dim3A_609 = vector.shape_cast %reduce_sum3A_608 : vector<400xf32> to vector<400x1xf32>
    %log3A = math.log %broadcast_in_dim3A_609 : vector<400x1xf32>
    %sub3A_610 = vector.broadcast %log3A : vector<400x1xf32> to vector<400x256xf32>
    %sub3A_611 = arith.subf %sub3A_605, %sub3A_610 : vector<400x256xf32>
    %swap3A = arith.constant 0 : index
    %swap3A_612 = arith.constant 0 : index
    %swap3A_613 = vector.load %arg14[%swap3A, %swap3A_612] : memref<400x256xf32, #tpu.memory_space<vmem>>, vector<400x256xf32>
    tpu.vector_store %arg14[%swap3A, %swap3A_612], %sub3A_611 {strides = array<i32>} : memref<400x256xf32, #tpu.memory_space<vmem>>, vector<400x256xf32>,
    return
  }
  func.func @transform_0(%arg0: i32) -> (i32, i32, i32) {
    %c0_i32 = arith.constant 0 : i32
    %c0_i32_0 = arith.constant 0 : i32
    %c0_i32_1 = arith.constant 0 : i32
    return %c0_i32, %arg0, %c0_i32_0 : i32, i32, i32
  }
  func.func @transform_1(%arg0: i32) -> (i32, i32) {
    %c0_i32 = arith.constant 0 : i32
    %c0_i32_0 = arith.constant 0 : i32
    return %arg0, %c0_i32 : i32, i32
  }
  func.func @transform_2(%arg0: i32) -> (i32, i32) {
    %c0_i32 = arith.constant 0 : i32
    %c0_i32_0 = arith.constant 0 : i32
    return %arg0, %c0_i32 : i32, i32
  }
  func.func @transform_3(%arg0: i32) -> (i32, i32) {
    %c0_i32 = arith.constant 0 : i32
    %c0_i32_0 = arith.constant 0 : i32
    return %arg0, %c0_i32 : i32, i32
  }
  func.func @transform_4(%arg0: i32) -> (i32, i32) {
    %c0_i32 = arith.constant 0 : i32
    %c0_i32_0 = arith.constant 0 : i32
    %c0_i32_1 = arith.constant 0 : i32
    return %c0_i32, %c0_i32_0 : i32, i32
  }
  func.func @transform_5(%arg0: i32) -> (i32, i32) {
    %c0_i32 = arith.constant 0 : i32
    %c0_i32_0 = arith.constant 0 : i32
    %c0_i32_1 = arith.constant 0 : i32
    return %c0_i32, %c0_i32_0 : i32, i32
  }
  func.func @transform_6(%arg0: i32) -> (i32, i32) {
    %c0_i32 = arith.constant 0 : i32
    %c0_i32_0 = arith.constant 0 : i32
    %c0_i32_1 = arith.constant 0 : i32
    return %c0_i32, %c0_i32_0 : i32, i32
  }
  func.func @transform_7(%arg0: i32) -> (i32, i32) {
    %c0_i32 = arith.constant 0 : i32
    %c0_i32_0 = arith.constant 0 : i32
    %c0_i32_1 = arith.constant 0 : i32
    return %c0_i32, %c0_i32_0 : i32, i32
  }
  func.func @transform_8(%arg0: i32) -> (i32, i32) {
    %c0_i32 = arith.constant 0 : i32
    %c0_i32_0 = arith.constant 0 : i32
    %c0_i32_1 = arith.constant 0 : i32
    return %c0_i32, %c0_i32_0 : i32, i32
  }
  func.func @transform_9(%arg0: i32) -> (i32, i32) {
    %c0_i32 = arith.constant 0 : i32
    %c0_i32_0 = arith.constant 0 : i32
    %c0_i32_1 = arith.constant 0 : i32
    return %c0_i32, %c0_i32_0 : i32, i32
  }
  func.func @transform_10(%arg0: i32) -> (i32, i32) {
    %c0_i32 = arith.constant 0 : i32
    %c0_i32_0 = arith.constant 0 : i32
    %c0_i32_1 = arith.constant 0 : i32
    return %c0_i32, %c0_i32_0 : i32, i32
  }
  func.func @transform_11(%arg0: i32) -> (i32, i32) {
    %c0_i32 = arith.constant 0 : i32
    %c0_i32_0 = arith.constant 0 : i32
    %c0_i32_1 = arith.constant 0 : i32
    return %c0_i32, %c0_i32_0 : i32, i32
  }
  func.func @transform_12(%arg0: i32) -> (i32, i32) {
    %c0_i32 = arith.constant 0 : i32
    %c0_i32_0 = arith.constant 0 : i32
    %c0_i32_1 = arith.constant 0 : i32
    return %c0_i32, %c0_i32_0 : i32, i32
  }
  func.func @transform_13(%arg0: i32) -> (i32, i32) {
    %c0_i32 = arith.constant 0 : i32
    %c0_i32_0 = arith.constant 0 : i32
    return %arg0, %c0_i32 : i32, i32
  }
}

</mosaic_0001>

<sc_bundles>
// kernel: closed_call.28.cloned.1.call-start
scs
__scs_entry_jumppad:
0x0: {  	(pc) =	sbr.rel $0x88, $3  }
0x1: {  	(tag) =	ssettag $0x0;
	lr =	simm.s32 $0x1  }
0x2: {  	[smem:$0x3F90] =	sst lr;
	_ =	strace $0xD0000000  }
0x3: {  	_ = 	snop  }
0x4: {  	_ = 	snop  }
0x5: {  	_ = 	snop  }
0x6: {  	_ = 	snop  }
0x7: {  	_ = 	snop  }
__scs_overlays_trampoline_lowered:
0x8: {  	[smem:$0x3F9F] =	sst s0  }
0x9: {  	[smem:$0x3FA0] =	sst s1  }
0xa: {  	[smem:$0x3FA1] =	sst s2  }
0xb: {  	[smem:$0x3FA2] =	sst s3  }
0xc: {  	[smem:$0x3FA3] =	sst s4  }
0xd: {  	[smem:$0x3FA4] =	sst s5  }
0xe: {  	[smem:$0x3FA5] =	sst s6  }
0xf: {  	[smem:$0x3FA6] =	sst s7  }
0x10: {  	[smem:$0x3FA7] =	sst s8  }
0x11: {  	[smem:$0x3FA8] =	sst s9;
	s0 =	simm.s32 @!p0 $0x0  }
0x12: {  	s1 =	sld [smem:$0x3F8E];
	s0 =	simm.s32 @p0 $0x1  }
0x13: {  	[smem:$0x3FA9] =	sst s0;
	s0 =	simm.s32 @!p1 $0x0  }
0x14: {  	s2 =	sld [smem:$0x3F8D];
	s0 =	simm.s32 @p1 $0x1  }
0x15: {  	[smem:$0x3FAA] =	sst s0;
	s0 =	simm.s32 @!p2 $0x0  }
0x16: {  	s3 =	sld [smem:$0x3FDB];
	s0 =	simm.s32 @p2 $0x1  }
0x17: {  	s4 =	simm.s32 $0x1BF5;
	[smem:$0x3FAC] =	sst s0  }
0x18: {  	s0 =	sld [smem:$0x3F8F];
	_ =	swait.ge [sflag:s4], $0x0  }
0x19: {  	s7 =	sld [smem:$0x3F90]  }
0x1a: {  	s8 =	sadd.s32 $0xFFFFE003, lr  }
0x1b: {  	s9 =	sadd.s32 $0xFFFFFEF7, lr;
	s5 =	simm.s32 $0xFFFFFFFF;
	p2 =	slt.u32 s8, $0xFFFFF086  }
0x1c: {  	p1 =	slt.u32 s9, $0xF7A;
	s5 =	simm.s32 @!p2 $0x0  }
0x1d: {  	s5 =	simm.s32 @p1 $0x1;
	p0 =	seq.s32 s7, s2  }
0x1e: {  	s7 =	smul.u32 @!p0 $0xF7A, s2;
	p2 =	seq.s32 @!p0 s5, $0x0  }
0x1f: {  	s9 =	smul.u32 $0xF7A, s1;
	s8 =	simm.s32 @!p0 $0x1BF5;
	p2 =	por !p2, p0  }
0x20: {  	[sflag:s8] =	ssyncset.s32 @!p0 $0xFFFFF086;
	s6 =	sadd.s32 @!p0 s3, s7;
	s7 =	simm.s32 @!p0 $0x108  }
0x21: {  	s3 =	sadd.s32 s3, s9;
	s6 =	sadd.s32 @!p0 $0x88, s6;
	s7 =	simm.s32 @p2 $0x1082  }
0x22: {  	[simem:s7], [sflag:s8] =	dma.local @!p0 [hbm:s6], $0xF7A  }
0x23: {  	s9 =	sor.u32 $0xD0000000, s2;
	s6 =	simm.s32 $0x108;
	_ =	swait.ge @!p0 [sflag:s8], $0x0  }
0x24: {  	s3 =	sadd.s32 $0x88, s3;
	s6 =	simm.s32 @!p1 $0x1082;
	[sflag:s4] =	ssyncset.s32 $0xFFFFF086  }
0x25: {  	[simem:s6], [sflag:s4] =	dma.local [hbm:s3], $0xF7A  }
0x26: {  	[smem:$0x3F90] =	sst s1;
	(tag) =	ssettag s2;
	_ =	strace s9  }
0x27: {  	s1 =	sld [smem:$0x3FA0]  }
0x28: {  	s2 =	sld [smem:$0x3FA1]  }
0x29: {  	s4 =	sld [smem:$0x3FA3]  }
0x2a: {  	p0 =	seq.s32 s5, $0x0;
	s5 =	sld [smem:$0x3FA4]  }
0x2b: {  	s6 =	sld [smem:$0x3FA5]  }
0x2c: {  	s7 =	sld [smem:$0x3FA6]  }
0x2d: {  	s3 =	simm.s32 $0x108;
	s8 =	sld [smem:$0x3FA7]  }
0x2e: {  	s3 =	simm.s32 @!p0 $0x1082;
	s9 =	sld [smem:$0x3FA8]  }
0x2f: {  	lr =	sadd.s32 s0, s3;
	s0 =	sld [smem:$0x3F9F]  }
0x30: {  	s3 =	sld [smem:$0x3FA2]  }
0x31: {  	[smem:$0x3FAB] =	sst s10  }
0x32: {  	s10 =	sld [smem:$0x3FA9];
	_ =	sdelay $0x3  }
0x33: {  	p0 =	seq.s32 s10, $0x1;
	s10 =	sld [smem:$0x3FAB];
	_ =	sdelay $0x3  }
0x34: {  	[smem:$0x3FAB] =	sst s10  }
0x35: {  	s10 =	sld [smem:$0x3FAA];
	_ =	sdelay $0x3  }
0x36: {  	p1 =	seq.s32 s10, $0x1;
	s10 =	sld [smem:$0x3FAB];
	_ =	sdelay $0x3  }
0x37: {  	[smem:$0x3FAB] =	sst s10  }
0x38: {  	s10 =	sld [smem:$0x3FAC]  }
0x39: {  	_ = 	snop;
	(pc) =	sbr.ind lr, $3  }
0x3a: {  	_ = 	snop  }
0x3b: {  	_ = 	snop  }
0x3c: {  	p2 =	seq.s32 s10, $0x1;
	s10 =	sld [smem:$0x3FAB]  }
0x3d: {  	_ =	shalt  }
0x3e: {  	_ =	shalt  }
0x3f: {  	_ =	shalt  }
0x40: {  	_ =	shalt  }
0x41: {  	_ =	shalt  }
0x42: {  	_ =	shalt  }
0x43: {  	_ =	shalt  }
0x44: {  	_ =	shalt  }
0x45: {  	_ =	shalt  }
0x46: {  	_ =	shalt  }
0x47: {  	_ =	shalt  }
0x48: {  	_ =	shalt  }
0x49: {  	_ =	shalt  }
0x4a: {  	_ =	shalt  }
0x4b: {  	_ =	shalt  }
0x4c: {  	_ =	shalt  }
0x4d: {  	_ =	shalt  }
0x4e: {  	_ =	shalt  }
0x4f: {  	_ =	shalt  }
0x50: {  	_ =	shalt  }
0x51: {  	_ =	shalt  }
0x52: {  	_ =	shalt  }
0x53: {  	_ =	shalt  }
0x54: {  	_ =	shalt  }
0x55: {  	_ =	shalt  }
0x56: {  	_ =	shalt  }
0x57: {  	_ =	shalt  }
0x58: {  	_ =	shalt  }
0x59: {  	_ =	shalt  }
0x5a: {  	_ =	shalt  }
0x5b: {  	_ =	shalt  }
0x5c: {  	_ =	shalt  }
0x5d: {  	_ =	shalt  }
0x5e: {  	_ =	shalt  }
0x5f: {  	_ =	shalt  }
0x60: {  	_ =	shalt  }
0x61: {  	_ =	shalt  }
0x62: {  	_ =	shalt  }
0x63: {  	_ =	shalt  }
0x64: {  	_ =	shalt  }
0x65: {  	_ =	shalt  }
0x66: {  	_ =	shalt  }
0x67: {  	_ =	shalt  }
0x68: {  	_ =	shalt  }
0x69: {  	_ =	shalt  }
0x6a: {  	_ =	shalt  }
0x6b: {  	_ =	shalt  }
0x6c: {  	_ =	shalt  }
0x6d: {  	_ =	shalt  }
0x6e: {  	_ =	shalt  }
0x6f: {  	_ =	shalt  }
0x70: {  	_ =	shalt  }
0x71: {  	_ =	shalt  }
0x72: {  	_ =	shalt  }
0x73: {  	_ =	shalt  }
0x74: {  	_ =	shalt  }
0x75: {  	_ =	shalt  }
0x76: {  	_ =	shalt  }
0x77: {  	_ =	shalt  }
0x78: {  	_ =	shalt  }
0x79: {  	_ =	shalt  }
0x7a: {  	_ =	shalt  }
0x7b: {  	_ =	shalt  }
0x7c: {  	_ =	shalt  }
0x7d: {  	_ =	shalt  }
0x7e: {  	_ =	shalt  }
0x7f: {  	_ =	shalt  }
0x80: {  	_ =	shalt  }
0x81: {  	_ =	shalt  }
0x82: {  	_ =	shalt  }
0x83: {  	_ =	shalt  }
0x84: {  	_ =	shalt  }
0x85: {  	_ =	shalt  }
0x86: {  	_ =	shalt  }
0x87: {  	_ =	shalt  }
.Lfunc_end0:
.L_simem_size_0:
called_computation_lowered:
.L_overlay_start_0:
0x88: {  	s2 =	sld [smem:$0x3FD9]  }
0x89: {  	s3 =	sld [smem:$0x3FFE];
	_ =	sdelay $0x1  }
0x8a: {  	s1 =	srdreg.scid  }
0x8b: {  	s0 =	sand.u32 $0x1, s1  }
0x8c: {  	s16 =	sshll.u32 s0, $0xA;
	s2 =	sadd.s32 s3, s2  }
0x8d: {  	s2 =	sadd.s32 s2, s16  }
0x8e: {  	[smem:$0x3FB7] =	sst s2  }
0x8f: {  	_ = 	snop  }
0x90: {  	(tm) =	ssettm $0x1  }
0x91: {  	s17 =	sld [smem:$0x3FFB];
	_ =	sdelay $0x3  }
0x92: {  	_ =	strace s17  }
0x93: {  	s2 =	sld [smem:$0x3FFC];
	_ =	sdelay $0x3  }
0x94: {  	_ =	strace s2  }
0x95: {  	s2 =	sld [smem:$0x3FFD];
	_ =	sdelay $0x3  }
0x96: {  	_ =	strace s2  }
0x97: {  	_ =	strace $0x8FFFFFFF  }
0x98: {  	s18 =	sld [smem:$0x3FDB];
	_ =	sdelay $0x1  }
0x99: {  	s19 =	simm.s32 $_scs_section_size  }
0x9a: {  	s4 =	simm.s32 $_size__tile_overlayer_lowered;
	s5 =	simm.s32 $_tile_overlayer_lowered  }
0x9b: {  	s22 =	simm.s32 $0x1BFF;
	s21 =	sshll.u32 s5, $0x1;
	s2 =	sadd.s32 s19, s18  }
0x9c: {  	s6 =	simm.s32 $0x0;
	s20 =	sshll.u32 s4, $0x1;
	s4 =	sadd.s32 s21, s2  }
0x9d: {  	[timem:s6], [sflag:s22] =	dma.local [hbm:s4], s20  }
0x9e: {  	_ =	swait.ge [sflag:s22], s20  }
0x9f: {  	s3 =	ssub.s32 $0x0, s20;
	[sflag:s22] =	ssyncset.done $0x0  }
0xa0: {  	[sflag:s22] =	ssyncadd.s32 s3;
	_ =	sdelay $0x1  }
0xa1: {  	s23 =	simm.s32 $0x1B8B  }
0xa2: {  	_ =	swait.ge [sflag:s23], $0x1  }
0xa3: {  	[sflag:s23] =	ssyncset.done $0x0  }
0xa4: {  	s25 =	simm.s32 $0x1B8E;
	s24 =	sld [smem:$0x3FFE];
	[sflag:s23] =	ssyncadd.s32 $0xFFFFFFFF  }
0xa5: {  	s26 =	simm.s32 $execute0_lowered;
	[smem:$0x3FD2] =	sst s25  }
0xa6: {  	s4 =	sshll.u32 s26, $0x1;
	_ =	strace $0x80000046;
	[dreg:$0x1] =	wrdreg $0xFFFFFFFF  }
0xa7: {  	s28 =	simm.s32 $_size_execute0_lowered;
	s2 =	sadd.s32 s2, s4;
	[dreg:$0x0] =	wrdreg $0x0  }
0xa8: {  	s4 =	sshll.u32 s28, $0x1;
	[dreg:$0x2] =	wrdreg s2  }
0xa9: {  	[dreg:$0x3] =	wrdreg s4  }
0xaa: {  	[dreg:$0x4] =	wrdreg $0xC0  }
0xab: {  	_ =	task [dreg:s6], $0x5FFFF  }
0xac: {  	[dreg:$0x1] =	wrdreg $0xFFFFFFFF  }
0xad: {  	[dreg:$0x0] =	wrdreg $0x60  }
0xae: {  	[dreg:$0x2] =	wrdreg s24  }
0xaf: {  	[dreg:$0x3] =	wrdreg $0x84000  }
0xb0: {  	[dreg:$0x4] =	wrdreg $0x9  }
0xb1: {  	_ =	task.clear_ibuf [dreg:s6], $0x5FFFF;
	_ =	strace $0x90000046  }
0xb2: {  	s29 =	simm.s32 $0x9;
	_ =	strace $0x80000048  }
0xb3: {  	_ =	swait.ge [sflag:s29], $0x1  }
0xb4: {  	[sflag:s29] =	ssyncadd.s32 $0xFFFFFFFF  }
0xb5: {  	_ =	strace $0x90000048  }
0xb6: {  	_ =	sfence  }
0xb7: {  	s30 =	sld [smem:$0x0];
	_ =	sdelay $0x2  }
0xb8: {  	s31 =	sshll.u32 s1, $0xD;
	s1 =	sshrl.u32 s1, $0x2  }
0xb9: {  	s3 =	sand.u32 $0x4000, s31;
	s1 =	sadd.s32 s1, s30  }
0xba: {  	s0 =	sor.u32 s3, s0;
	s1 =	sshll.u32 s1, $0x11  }
0xbb: {  	s0 =	sor.u32 s1, s0  }
0xbc: {  	s0 =	sadd.s32 $0x8F2B, s0  }
0xbd: {  	[sflag:s0] =	ssyncadd.remote.s32 $0x1  }
0xbe: {  	_ =	sfence.sel $0xFFFF  }
0xbf: {  	[dreg:$0x0] =	wrdreg $0xFFFFFFFF;
	(pc) =	sbr.abs _section_cstart, $3  }
0xc0: {  	[dreg:$0x1] =	wrdreg $0xFFFFFFFF  }
0xc1: {  	_ =	task.clear_ibuf [dreg:s6], $0x2FFFF;
	_ =	strace $0x9FFFFFFF  }
0xc2: {  	(tm) =	ssettm $0x7FFFFFFF  }
0xc3: {  	_ =	shalt  }
tec
execute0_lowered:
.L_overlay_start_1:
0x0: {  	(tag) =	ssettag $0x1  }
0x1: {  	s0 =	rddreg [dreg:$0x0]  }
0x2: {  	s2 =	rddreg [dreg:$0x1];
	s3 =	simm.s32 $0x0  }
0x3: {  	s12 =	stileid.u32;
	s1 =	srdreg.scid;
	s14 =	simm.s32 $0x5  }
0x4: {  	s15 =	simm.s32 $0x200;
	s16 =	simm.s32 $0x3;
	s17 =	simm.s32 $0x80  }
0x5: {  	s18 =	simm.s32 $0x400;
	s19 =	simm.s32 $0x4400;
	s20 =	simm.s32 $0x4  }
0x6: {  	s21 =	simm.s32 $0x1;
	s22 =	simm.s32 $0x100;
	s23 =	simm.s32 $0x2  }
0x7: {  	s24 =	simm.s32 $0x280;
	s28 =	simm.s32 $0x380;
	s29 =	simm.s32 $0x0  }
0x8: {  	[smem:$0x7FF] =	sst s3;
	s7 =	smul.u32 $0x2800, s12;
	s1 =	sand.u32 $0x1, s1  }
0x9: {  	s4 =	sadd.s32 $0xEEC00, s0;
	s5 =	sadd.s32 $0x13CE00, s0;
	s10 =	smul.u32 $0x50000, s12  }
0xa: {  	s6 =	sadd.s32 $0x150E00, s0;
	s31 =	sshll.u32 s12, $0x6;
	s8 =	smul.u32 $0x28000, s1  }
0xb: {  	_ =	strace $0x80000047;
	s9 =	ssub.s32 $0x2, s1;
	s1 =	smul.u32 $0xA000, s1  }
0xc: {  	s11 =	sadd.s32 s7, s0;
	s25 =	sshrl.u32 s9, $0x1;
	s30 =	sshrl.u32 s10, $0x2  }
0xd: {  	s8 =	sadd.s32 s7, s8;
	s26 =	ssub.s32 s9, s25;
	s10 =	sadd.s32 s30, s2  }
0xe: {  	s7 =	smul.u32 $0xA00, s12;
	s11 =	sadd.s32 $0x15AE00, s11;
	s9 =	sor.u32 $0x1C05, s31  }
0xf: {  	s25 =	simm.s32 $0x180;
	s0 =	sadd.s32 s8, s0;
	[dreg:$0x3] =	wrdreg s11  }
0x10: {  	s11 =	smax.u32 s26, $0x1;
	s13 =	sshrl.u32 s10, $0x3;
	s0 =	sadd.s32 $0x77A00, s0  }
0x11: {  	s26 =	simm.s32 $0x300;
	s12 =	sadd.s32 s7, s1;
	[dreg:$0x4] =	wrdreg s0  }
.LBB2_1:
0x12: {  	s0 =	rddreg [dreg:$0x3]  }
0x13: {  	[spmem:s13], [sflag:s9] =	dma.local [hbm:s0], $0x2800  }
0x14: {  	s10 =	sadd.s32 $0x0, s12;
	s1 =	sand.u32 $0x40, s3;
	_ =	swait.ge [sflag:s14], $0x2800  }
0x15: {  	s8 =	sadd.s32 $0x0, s7;
	s0 =	sand.u32 $0x3FF80, s10;
	[sflag:s14] =	ssyncset.done $0x0  }
0x16: {  	s10 =	sadd.s32 s5, s1;
	s1 =	sadd.s32 s6, s1;
	[sflag:s14] =	ssyncadd.s32 $0xFFFFD800  }
0x17: {  	s8 =	sand.u32 $0x1FF80, s8;
	s0 =	sadd.s32 s0, s10;
	[bflag:$0x0] =	sbarrier.arrive $0xFFFF  }
0x18: {  	[tilespmem:s3], [sflag:$0x3] =	stream.linear.gather [hbm4b:s0+s3], $0x200, $0x38;
	[tilespmem:$0x1C400] =	vst v63  }
0x19: {  	s1 =	sadd.s32 s8, s1  }
0x1a: {  	[tilespmem:s15], [sflag:$0x4] =	stream.linear.gather [hbm4b:s1+s3], $0x200, $0x38;
	[tilespmem:$0x1C400] =	vst v63  }
0x1b: {  	_ =	swait.ge [sflag:s16], $0x200  }
0x1c: {  	[sflag:s16] =	ssyncset.done $0x0  }
0x1d: {  	[sflag:s16] =	ssyncadd.s32 $0xFFFFFE00  }
0x1e: {  	[tilespmem:s18], [sflag:$0x1] =	stream.indirect.gather [hbm4b:s4+s17], $0x80, s3, s17, $0xb8;
	[tilespmem:$0x1C400] =	vst v63  }
0x1f: {  	_ = 	snop  }
0x20: {  	[tilespmem:s19], [sflag:$0x2] =	stream.indirect.gather [hbm4b:s4+s17], $0x80, s17, s17, $0xb8;
	[tilespmem:$0x1C400] =	vst v63  }
0x21: {  	_ =	swait.ge [sflag:s20], $0x200  }
0x22: {  	[sflag:s20] =	ssyncset.done $0x0  }
0x23: {  	[sflag:s20] =	ssyncadd.s32 $0xFFFFFE00  }
0x24: {  	_ =	swait.ge [sflag:s21], $0x4000  }
0x25: {  	[sflag:s21] =	ssyncset.done $0x0  }
0x26: {  	[sflag:s21] =	ssyncadd.s32 $0xFFFFC000  }
0x27: {  	[spmem:s2] =	stream.indirect.scatter.add.f32 [tilespmem:s18], [sflag:$0x5], $0x80, s15, s17, $0xb8;
	[tilespmem:$0x1C400] =	vst v63  }
0x28: {  	_ =	swait.ge [sflag:s14], $0x4000  }
0x29: {  	[sflag:s14] =	ssyncset.done $0x0  }
0x2a: {  	[sflag:s14] =	ssyncadd.s32 $0xFFFFC000  }
0x2b: {  	[tilespmem:s18], [sflag:$0x1] =	stream.indirect.gather [hbm4b:s4+s17], $0x80, s22, s17, $0xb8;
	[tilespmem:$0x1C400] =	vst v63  }
0x2c: {  	_ =	swait.ge [sflag:s23], $0x4000  }
0x2d: {  	[sflag:s23] =	ssyncset.done $0x0  }
0x2e: {  	[sflag:s23] =	ssyncadd.s32 $0xFFFFC000  }
0x2f: {  	[spmem:s2] =	stream.indirect.scatter.add.f32 [tilespmem:s19], [sflag:$0x5], $0x80, s24, s17, $0xb8;
	[tilespmem:$0x1C400] =	vst v63  }
0x30: {  	_ =	swait.ge [sflag:s14], $0x4000  }
0x31: {  	[sflag:s14] =	ssyncset.done $0x0  }
0x32: {  	[sflag:s14] =	ssyncadd.s32 $0xFFFFC000  }
0x33: {  	[tilespmem:s19], [sflag:$0x2] =	stream.indirect.gather [hbm4b:s4+s17], $0x80, s25, s17, $0xb8;
	[tilespmem:$0x1C400] =	vst v63  }
0x34: {  	_ =	swait.ge [sflag:s21], $0x4000  }
0x35: {  	[sflag:s21] =	ssyncset.done $0x0  }
0x36: {  	[sflag:s21] =	ssyncadd.s32 $0xFFFFC000  }
0x37: {  	[spmem:s2] =	stream.indirect.scatter.add.f32 [tilespmem:s18], [sflag:$0x5], $0x80, s26, s17, $0xb8;
	[tilespmem:$0x1C400] =	vst v63  }
0x38: {  	_ =	swait.ge [sflag:s14], $0x4000  }
0x39: {  	[sflag:s14] =	ssyncset.done $0x0  }
0x3a: {  	[sflag:s14] =	ssyncadd.s32 $0xFFFFC000  }
0x3b: {  	s30 =	simm.s32 $0x80;
	_ =	swait.ge [sflag:s23], $0x4000  }
0x3c: {  	s8 =	simm.s32 $0x40;
	s10 =	sadd.s32 $0x40, s12;
	[sflag:s23] =	ssyncset.done $0x0  }
0x3d: {  	s31 =	sand.u32 $0x40, s8;
	s8 =	sand.u32 $0x3FF80, s10;
	[sflag:s23] =	ssyncadd.s32 $0xFFFFC000  }
0x3e: {  	[spmem:s2] =	stream.indirect.scatter.add.f32 [tilespmem:s19], [sflag:$0x5], $0x80, s28, s17, $0xb8;
	[tilespmem:$0x1C400] =	vst v63  }
0x3f: {  	s10 =	sadd.s32 s5, s31;
	s0 =	sadd.s32 $0x40, s7;
	_ =	swait.ge [sflag:s14], $0x4000  }
.LBB2_2:
0x40: {  	s8 =	sadd.s32 s8, s10  }
0x41: {  	s10 =	sadd.s32 s6, s31;
	[sflag:s14] =	ssyncset.done $0x0;
	s31 =	smov.u32 s30  }
0x42: {  	s1 =	sadd.s32 $0x40, s30;
	s0 =	sand.u32 $0x1FF80, s0;
	[sflag:s14] =	ssyncadd.s32 $0xFFFFC000  }
0x43: {  	[tilespmem:s3], [sflag:$0x3] =	stream.linear.gather [hbm4b:s8+s3], $0x200, $0x38;
	[tilespmem:$0x1C400] =	vst v63  }
0x44: {  	p0 =	sne.s32 s30, $0x9C0;
	s0 =	sadd.s32 s0, s10  }
0x45: {  	[tilespmem:s15], [sflag:$0x4] =	stream.linear.gather [hbm4b:s0+s3], $0x200, $0x38;
	[tilespmem:$0x1C400] =	vst v63  }
0x46: {  	_ =	swait.ge [sflag:s16], $0x200  }
0x47: {  	[sflag:s16] =	ssyncset.done $0x0  }
0x48: {  	[sflag:s16] =	ssyncadd.s32 $0xFFFFFE00  }
0x49: {  	[tilespmem:s18], [sflag:$0x1] =	stream.indirect.gather [hbm4b:s4+s17], $0x80, s3, s17, $0xb8;
	[tilespmem:$0x1C400] =	vst v63  }
0x4a: {  	_ = 	snop  }
0x4b: {  	[tilespmem:s19], [sflag:$0x2] =	stream.indirect.gather [hbm4b:s4+s17], $0x80, s17, s17, $0xb8;
	[tilespmem:$0x1C400] =	vst v63  }
0x4c: {  	_ =	swait.ge [sflag:s20], $0x200  }
0x4d: {  	[sflag:s20] =	ssyncset.done $0x0  }
0x4e: {  	[sflag:s20] =	ssyncadd.s32 $0xFFFFFE00  }
0x4f: {  	_ =	swait.ge [sflag:s21], $0x4000  }
0x50: {  	[sflag:s21] =	ssyncset.done $0x0  }
0x51: {  	[sflag:s21] =	ssyncadd.s32 $0xFFFFC000  }
0x52: {  	[spmem:s2] =	stream.indirect.scatter.add.f32 [tilespmem:s18], [sflag:$0x5], $0x80, s15, s17, $0xb8;
	[tilespmem:$0x1C400] =	vst v63  }
0x53: {  	_ =	swait.ge [sflag:s14], $0x4000  }
0x54: {  	[sflag:s14] =	ssyncset.done $0x0  }
0x55: {  	[sflag:s14] =	ssyncadd.s32 $0xFFFFC000  }
0x56: {  	[tilespmem:s18], [sflag:$0x1] =	stream.indirect.gather [hbm4b:s4+s17], $0x80, s22, s17, $0xb8;
	[tilespmem:$0x1C400] =	vst v63  }
0x57: {  	_ =	swait.ge [sflag:s23], $0x4000  }
0x58: {  	[sflag:s23] =	ssyncset.done $0x0  }
0x59: {  	[sflag:s23] =	ssyncadd.s32 $0xFFFFC000  }
0x5a: {  	[spmem:s2] =	stream.indirect.scatter.add.f32 [tilespmem:s19], [sflag:$0x5], $0x80, s24, s17, $0xb8;
	[tilespmem:$0x1C400] =	vst v63  }
0x5b: {  	_ =	swait.ge [sflag:s14], $0x4000  }
0x5c: {  	[sflag:s14] =	ssyncset.done $0x0  }
0x5d: {  	[sflag:s14] =	ssyncadd.s32 $0xFFFFC000  }
0x5e: {  	[tilespmem:s19], [sflag:$0x2] =	stream.indirect.gather [hbm4b:s4+s17], $0x80, s25, s17, $0xb8;
	[tilespmem:$0x1C400] =	vst v63  }
0x5f: {  	_ =	swait.ge [sflag:s21], $0x4000  }
0x60: {  	[sflag:s21] =	ssyncset.done $0x0  }
0x61: {  	[sflag:s21] =	ssyncadd.s32 $0xFFFFC000  }
0x62: {  	[spmem:s2] =	stream.indirect.scatter.add.f32 [tilespmem:s18], [sflag:$0x5], $0x80, s26, s17, $0xb8;
	[tilespmem:$0x1C400] =	vst v63  }
0x63: {  	_ =	swait.ge [sflag:s14], $0x4000  }
0x64: {  	[sflag:s14] =	ssyncset.done $0x0  }
0x65: {  	[sflag:s14] =	ssyncadd.s32 $0xFFFFC000  }
.Ltmp0:
0x66: {  	_ =	swait.ge [sflag:s23], $0x4000;
	(pc) =	sbr.rel @p0 .LBB2_2-.Ltmp0, $4  }
0x67: {  	s30 =	smov.u32 s1;
	s0 =	sadd.s32 s31, s7;
	[sflag:s23] =	ssyncset.done $0x0  }
0x68: {  	s8 =	sadd.s32 s31, s12;
	s31 =	sand.u32 $0x40, s31;
	[sflag:s23] =	ssyncadd.s32 $0xFFFFC000  }
0x69: {  	[spmem:s2] =	stream.indirect.scatter.add.f32 [tilespmem:s19], [sflag:$0x5], $0x80, s28, s17, $0xb8;
	[tilespmem:$0x1C400] =	vst v63  }
0x6a: {  	s8 =	sand.u32 $0x3FF80, s8;
	s10 =	sadd.s32 s5, s31;
	_ =	swait.ge [sflag:s14], $0x4000  }
0x6b: {  	[sflag:s14] =	ssyncset.done $0x0;
	s1 =	sadd.s32 s8, s10  }
0x6c: {  	s30 =	sadd.s32 s6, s31;
	s0 =	sand.u32 $0x1FF80, s0;
	[sflag:s14] =	ssyncadd.s32 $0xFFFFC000  }
0x6d: {  	[tilespmem:s3], [sflag:$0x3] =	stream.linear.gather [hbm4b:s1+s3], $0x200, $0x38;
	[tilespmem:$0x1C400] =	vst v63  }
0x6e: {  	s0 =	sadd.s32 s0, s30  }
0x6f: {  	[tilespmem:s15], [sflag:$0x4] =	stream.linear.gather [hbm4b:s0+s3], $0x200, $0x38;
	[tilespmem:$0x1C400] =	vst v63  }
0x70: {  	_ =	swait.ge [sflag:s16], $0x200  }
0x71: {  	[sflag:s16] =	ssyncset.done $0x0  }
0x72: {  	[sflag:s16] =	ssyncadd.s32 $0xFFFFFE00  }
0x73: {  	[tilespmem:s18], [sflag:$0x1] =	stream.indirect.gather [hbm4b:s4+s17], $0x80, s3, s17, $0xb8;
	[tilespmem:$0x1C400] =	vst v63  }
0x74: {  	_ = 	snop  }
0x75: {  	[tilespmem:s19], [sflag:$0x2] =	stream.indirect.gather [hbm4b:s4+s17], $0x80, s17, s17, $0xb8;
	[tilespmem:$0x1C400] =	vst v63  }
0x76: {  	_ =	swait.ge [sflag:s20], $0x200  }
0x77: {  	[sflag:s20] =	ssyncset.done $0x0  }
0x78: {  	[sflag:s20] =	ssyncadd.s32 $0xFFFFFE00  }
0x79: {  	_ =	swait.ge [sflag:s21], $0x4000  }
0x7a: {  	[sflag:s21] =	ssyncset.done $0x0  }
0x7b: {  	[sflag:s21] =	ssyncadd.s32 $0xFFFFC000  }
0x7c: {  	[spmem:s2] =	stream.indirect.scatter.add.f32 [tilespmem:s18], [sflag:$0x5], $0x80, s15, s17, $0xb8;
	[tilespmem:$0x1C400] =	vst v63  }
0x7d: {  	_ =	swait.ge [sflag:s14], $0x4000  }
0x7e: {  	[sflag:s14] =	ssyncset.done $0x0  }
0x7f: {  	[sflag:s14] =	ssyncadd.s32 $0xFFFFC000  }
0x80: {  	[tilespmem:s18], [sflag:$0x1] =	stream.indirect.gather [hbm4b:s4+s17], $0x80, s22, s17, $0xb8;
	[tilespmem:$0x1C400] =	vst v63  }
0x81: {  	_ =	swait.ge [sflag:s23], $0x4000  }
0x82: {  	[sflag:s23] =	ssyncset.done $0x0  }
0x83: {  	[sflag:s23] =	ssyncadd.s32 $0xFFFFC000  }
0x84: {  	[spmem:s2] =	stream.indirect.scatter.add.f32 [tilespmem:s19], [sflag:$0x5], $0x80, s24, s17, $0xb8;
	[tilespmem:$0x1C400] =	vst v63  }
0x85: {  	_ =	swait.ge [sflag:s14], $0x4000  }
0x86: {  	[sflag:s14] =	ssyncset.done $0x0  }
0x87: {  	[sflag:s14] =	ssyncadd.s32 $0xFFFFC000  }
0x88: {  	[tilespmem:s19], [sflag:$0x2] =	stream.indirect.gather [hbm4b:s4+s17], $0x80, s25, s17, $0xb8;
	[tilespmem:$0x1C400] =	vst v63  }
0x89: {  	_ =	swait.ge [sflag:s21], $0x4000  }
0x8a: {  	[sflag:s21] =	ssyncset.done $0x0  }
0x8b: {  	[sflag:s21] =	ssyncadd.s32 $0xFFFFC000  }
0x8c: {  	[spmem:s2] =	stream.indirect.scatter.add.f32 [tilespmem:s18], [sflag:$0x5], $0x80, s26, s17, $0xb8;
	[tilespmem:$0x1C400] =	vst v63  }
0x8d: {  	_ =	swait.ge [sflag:s14], $0x4000  }
0x8e: {  	[sflag:s14] =	ssyncset.done $0x0  }
0x8f: {  	[sflag:s14] =	ssyncadd.s32 $0xFFFFC000  }
0x90: {  	_ =	swait.ge [sflag:s23], $0x4000  }
0x91: {  	[sflag:s23] =	ssyncset.done $0x0  }
0x92: {  	[sflag:s23] =	ssyncadd.s32 $0xFFFFC000  }
0x93: {  	[spmem:s2] =	stream.indirect.scatter.add.f32 [tilespmem:s19], [sflag:$0x5], $0x80, s28, s17, $0xb8;
	[tilespmem:$0x1C400] =	vst v63  }
0x94: {  	_ =	swait.ge [sflag:s14], $0x4000  }
0x95: {  	[sflag:s14] =	ssyncset.done $0x0  }
0x96: {  	s29 =	sadd.s32 $0x1, s29;
	[sflag:s14] =	ssyncadd.s32 $0xFFFFC000  }
0x97: {  	p0 =	sne.s32 s29, s11;
	[bflag:$0x0] =	sbarrier.arrive $0xFFFF  }
.Ltmp1:
0x98: {  	s31 =	rddreg [dreg:$0x4];
	(pc) =	sbr.rel @p0 .LBB2_1-.Ltmp1, $4  }
0x99: {  	[hbm:s31], [sflag:s9] =	dma.local [spmem:s13], $0x2800  }
0x9a: {  	_ =	swait.ge [sflag:s14], $0x2800  }
0x9b: {  	[sflag:s14] =	ssyncset.done $0x0  }
0x9c: {  	[sflag:s14] =	ssyncadd.s32 $0xFFFFD800  }
0x9d: {  	_ =	sfence.sel $0x180000  }
0x9e: {  	[bflag:$0x0] =	sbarrier.arrive $0xFFFF  }
0x9f: {  	_ =	strace $0x90000047  }
0xa0: {  	s0 =	stileid.u32;
	[bflag:$0x2] =	sbarrier.arrive $0xFFFF  }
0xa1: {  	p0 =	sne.s32 s0, $0x0;
	s0 =	rddreg [dreg:$0x2]  }
0xa2: {  	s0 =	sadd.s32 @!p0 $0x100000, s0  }
0xa3: {  	[sflag:s0] =	ssyncadd.tile.s32 @!p0 $0x1;
	_ =	shalt  }
.Lfunc_end2:
_tile_overlayer_lowered:
.L_overlay_start_2:
0xa4: {  	(tag) =	ssettag $0x2  }
0xa5: {  	s0 =	rddreg [dreg:$0x0];
	s2 =	stileid.u32  }
0xa6: {  	s1 =	rddreg [dreg:$0x1];
	p0 =	sne.s32 s2, $0x0  }
0xa7: {  	s3 =	rddreg [dreg:$0x2];
	[bflag:$0x3] =	sbarrier.arrive $0xFFFF;
	s2 =	simm.s32 @!p0 $0x1C05  }
0xa8: {  	[timem:s3], [sflag:s2] =	dma.local @!p0 [hbm:s0], s1  }
0xa9: {  	s0 =	simm.s32 @!p0 $0x5  }
0xaa: {  	_ =	swait.ge @!p0 [sflag:s0], s1  }
0xab: {  	s1 =	ssub.s32 @!p0 $0x0, s1;
	[sflag:s0] =	ssyncset.done @!p0 $0x0  }
0xac: {  	[sflag:s0] =	ssyncadd.s32 @!p0 s1  }
0xad: {  	[bflag:$0x3] =	sbarrier.arrive $0xFFFF  }
0xae: {  	_ =	shalt  }

</sc_bundles>
